<compile_context>
chip_gen: v7x
topology: tpu7x:2x2x1
jax: 0.10.2.dev20260603
libtpu: 0.0.44.dev20260713+nightly
codegen_flags: <defaults>
</compile_context>

<pallas_src>
import jax
import jax.numpy as jnp
from jax import lax
from jax.experimental import pallas as pl
from jax.experimental.pallas import tpu as pltpu
from jax.experimental.pallas import tpu_sc as plsc

_B, _F, _V, _D, _L = 16384, 26, 100000, 16, 50
_NC, _NS = 2, 16
_NW = _NC * _NS
_RPW = _B // _NW
_CB = 64
_NCH = _RPW // _CB
_GSL = 128


def _sc_body(spidx_hbm, seqidx_hbm, wsp_hbm, wseq_hbm,
             sp_out, pooled_out,
             spidx_v, seqidx_v, sp_rows, seq_rows, pooled_v, sem):
    wid = lax.axis_index("s") * _NC + lax.axis_index("c")

    def chunk_body(ch, carry):
        base = wid * _RPW + ch * _CB
        pltpu.sync_copy(spidx_hbm.at[pl.ds(base * _F, _CB * _F)], spidx_v)
        pltpu.sync_copy(seqidx_hbm.at[pl.ds(base * _L, _CB * _L)], seqidx_v)
        copies = []
        for j in range(_CB * _F // _GSL):
            copies.append(pltpu.async_copy(
                wsp_hbm.at[spidx_v.at[pl.ds(j * _GSL, _GSL)]],
                sp_rows.at[pl.ds(j * _GSL, _GSL), :], sem))
        for j in range(_CB * _L // _GSL):
            copies.append(pltpu.async_copy(
                wseq_hbm.at[seqidx_v.at[pl.ds(j * _GSL, _GSL)]],
                seq_rows.at[pl.ds(j * _GSL, _GSL), :], sem))
        for c in copies:
            c.wait()
        pltpu.sync_copy(sp_rows, sp_out.at[pl.ds(base * _F, _CB * _F), :])

        def row_body(b, carry2):
            r = b * _L
            acc0 = seq_rows[r + 0, :]
            acc1 = seq_rows[r + 1, :]
            acc2 = seq_rows[r + 2, :]
            acc3 = seq_rows[r + 3, :]
            for l in range(4, _L - 2, 4):
                acc0 = acc0 + seq_rows[r + l + 0, :]
                acc1 = acc1 + seq_rows[r + l + 1, :]
                acc2 = acc2 + seq_rows[r + l + 2, :]
                acc3 = acc3 + seq_rows[r + l + 3, :]
            acc0 = acc0 + seq_rows[r + _L - 2, :]
            acc1 = acc1 + seq_rows[r + _L - 1, :]
            total = (acc0 + acc1) + (acc2 + acc3)
            pooled_v[b, :] = total * (1.0 / _L)
            return carry2

        lax.fori_loop(0, _CB, row_body, 0)
        pltpu.sync_copy(pooled_v, pooled_out.at[pl.ds(base, _CB), :])
        return carry

    lax.fori_loop(0, _NCH, chunk_body, 0)


def kernel(sparse_idx, seq_idx, dense_vals, W_sparse, W_seq):
    flat_sp = (sparse_idx
               + jnp.arange(_F, dtype=jnp.int32)[None, :] * _V).reshape(-1)
    flat_seq = seq_idx.reshape(-1)
    wsp = W_sparse.reshape(_F * _V, _D)
    mesh = plsc.VectorSubcoreMesh(core_axis_name="c", subcore_axis_name="s",
                                  num_cores=_NC, num_subcores=_NS)
    sp_out, pooled = pl.kernel(
        _sc_body,
        out_type=[jax.ShapeDtypeStruct((_B * _F, _D), jnp.float32),
                  jax.ShapeDtypeStruct((_B, _D), jnp.float32)],
        mesh=mesh,
        compiler_params=pltpu.CompilerParams(use_tc_tiling_on_sc=False),
        scratch_types=[
            pltpu.VMEM((_CB * _F,), jnp.int32),
            pltpu.VMEM((_CB * _L,), jnp.int32),
            pltpu.VMEM((_CB * _F, _D), jnp.float32),
            pltpu.VMEM((_CB * _L, _D), jnp.float32),
            pltpu.VMEM((_CB, _D), jnp.float32),
            pltpu.SemaphoreType.DMA,
        ],
    )(flat_sp, flat_seq, wsp, W_seq)
    return jnp.concatenate([sp_out.reshape(_B, _F * _D), pooled,
                            dense_vals], axis=1)

# --- scband reference (transcript-rebuilt; emitter-appended) ---
"""Pipeline reference for scband-embedding-layer-69097433858479 (READ-ONLY COPY).

The authoritative reference and input builder live on the scoring server;
editing this copy changes nothing except your own understanding.
"""

import jax, jax.numpy as jnp
import numpy as np

B = 16384
F = 26
V = 100000
D = 16
L = 50
ND = 13

def setup_inputs(seed: int = 0) -> dict:
    key = jax.random.key(seed)
    k1, k2, k3, k4, k5 = jax.random.split(key, 5)
    sparse_idx = jax.random.randint(k1, (B, F), 0, V, dtype=jnp.int32)
    seq_idx = jax.random.randint(k2, (B, L), 0, V, dtype=jnp.int32)
    dense_vals = jax.random.normal(k3, (B, ND), dtype=jnp.float32)
    W_sparse = jax.random.normal(k4, (F, V, D), dtype=jnp.float32) * 0.01
    W_seq = jax.random.normal(k5, (V, D), dtype=jnp.float32) * 0.01
    return {"sparse_idx": sparse_idx, "seq_idx": seq_idx, "dense_vals": dense_vals,
            "W_sparse": W_sparse, "W_seq": W_seq}

def reference(sparse_idx, seq_idx, dense_vals, W_sparse, W_seq):
    # --- SparseFeature path: per-field embedding lookup, expand_dims(axis=1), concat axis=2 ---
    field_ids = jnp.arange(F, dtype=sparse_idx.dtype)[None, :]          # [1, F]
    sp = W_sparse[field_ids, sparse_idx]                                # [B, F, D] gather
    sp = sp.reshape(B, 1, F * D)                                        # concat of [B,1,D] blocks along axis=2
    # --- SequenceFeature path: embedding lookup + InputMask + AveragePooling ---
    seq_emb = W_seq[seq_idx]                                            # [B, L, D] gather
    # InputMask: padding_idx is None -> mask = (idx != -1), expand dims, float
    mask = (seq_idx != -1).astype(jnp.float32)[:, None, :]              # [B, 1, L]
    sum_pool = jnp.squeeze(jnp.matmul(mask, seq_emb), axis=1)           # [B, D]
    non_pad_len = jnp.sum(mask, axis=-1)                                # [B, 1]
    pooled = sum_pool / (non_pad_len + 1e-16)                           # [B, D]
    sparse_emb = jnp.concatenate([sp, pooled[:, None, :]], axis=2)      # [B, 1, (F+1)*D]
    # --- squeeze_dim=True with dense + sparse ---
    flat = sparse_emb.reshape(sparse_emb.shape[0], -1)                  # [B, (F+1)*D]
    dense = dense_vals.astype(jnp.float32)                              # [B, ND]
    return jnp.concatenate([flat, dense], axis=1)                       # [B, (F+1)*D + ND]

if __name__ == "__main__":
    import jax
    _d = setup_inputs()
    print(jax.jit(kernel)(*tuple(_d.values())))

</pallas_src>

<mosaic_0001>
#map = affine_map<(d0, d1) -> (0)>
#map1 = affine_map<(d0, d1) -> (0, 0)>
module attributes {stable_mosaic.version = 14 : i64} {
  func.func @_sc_body(%arg0: i32, %arg1: i32, %arg2: memref<425984xi32, #tpu.memory_space<hbm>>, %arg3: memref<819200xi32, #tpu.memory_space<hbm>>, %arg4: memref<2600000x16xf32, #tpu.memory_space<hbm>>, %arg5: memref<100000x16xf32, #tpu.memory_space<hbm>>, %arg6: memref<425984x16xf32, #tpu.memory_space<hbm>>, %arg7: memref<16384x16xf32, #tpu.memory_space<hbm>>, %arg8: memref<1664xi32, #tpu.memory_space<vmem>>, %arg9: memref<3200xi32, #tpu.memory_space<vmem>>, %arg10: memref<1664x16xf32, #tpu.memory_space<vmem>>, %arg11: memref<3200x16xf32, #tpu.memory_space<vmem>>, %arg12: memref<64x16xf32, #tpu.memory_space<vmem>>, %arg13: memref<!tpu.dma_semaphore, #tpu.memory_space<semaphore_mem>>) attributes {dimension_semantics = [#tpu.dimension_semantics<core_parallel>, #tpu.dimension_semantics<subcore_parallel>], iteration_bounds = array<i64: 2, 16>, scalar_prefetch = 0 : i64, scratch_operands = 6 : i64, tpu.core_type = #tpu.core_type<sc_vector_subcore>, window_params = [{transform_indices = #map}, {transform_indices = #map}, {transform_indices = #map1}, {transform_indices = #map1}, {transform_indices = #map1}, {transform_indices = #map1}]} {
    %mul3A = arith.constant 2 : i32
    %mul3A_0 = arith.muli %arg1, %mul3A : i32
    %add3A = arith.addi %mul3A_0, %arg0 : i32
    %scan3A = arith.constant 0 : i32
    %scan3A_1 = arith.constant 0 : i32
    %scan3A_2 = arith.constant 8 : i32
    %scan3A_3 = arith.addi %scan3A_1, %scan3A_2 : i32
    %scan3A_4 = arith.constant 1 : i32
    scf.for %scan3A_6 = %scan3A_1 to %scan3A_3 step %scan3A_4  : i32 {
      %mul3A_7 = arith.constant 512 : i32
      %mul3A_8 = arith.muli %add3A, %mul3A_7 : i32
      %mul3A_9 = arith.constant 64 : i32
      %mul3A_10 = arith.muli %scan3A_6, %mul3A_9 : i32
      %add3A_11 = arith.addi %mul3A_8, %mul3A_10 : i32
      %mul3A_12 = arith.constant 26 : i32
      %mul3A_13 = arith.muli %add3A_11, %mul3A_12 : i32
      "tpu.region"() ({
        %run_scoped3A = tpu.sem_alloc : memref<!tpu.dma_semaphore, #tpu.memory_space<semaphore_mem>>
        %dma_start3A_630 = tpu.memref_slice %arg2[%mul3A_13] : memref<425984xi32, #tpu.memory_space<hbm>> -> memref<1664xi32, #tpu.memory_space<hbm>>
        %dma_start3A_631 = tpu.memref_slice %arg2[%mul3A_13] : memref<425984xi32, #tpu.memory_space<hbm>> -> memref<1664xi32, #tpu.memory_space<hbm>>
        tpu.enqueue_dma source(%dma_start3A_631 : memref<1664xi32, #tpu.memory_space<hbm>>) target(%arg8 : memref<1664xi32, #tpu.memory_space<vmem>>) target_semaphore(%run_scoped3A : memref<!tpu.dma_semaphore, #tpu.memory_space<semaphore_mem>>)
        %dma_wait3A_632 = tpu.memref_slice %arg2[%mul3A_13] : memref<425984xi32, #tpu.memory_space<hbm>> -> memref<1664xi32, #tpu.memory_space<hbm>>
        %dma_wait3A_633 = tpu.memref_slice %arg2[%mul3A_13] : memref<425984xi32, #tpu.memory_space<hbm>> -> memref<1664xi32, #tpu.memory_space<hbm>>
        tpu.wait_dma2 semaphore(%run_scoped3A : memref<!tpu.dma_semaphore, #tpu.memory_space<semaphore_mem>>) src(%dma_wait3A_633 : memref<1664xi32, #tpu.memory_space<hbm>>) dst(%arg8 : memref<1664xi32, #tpu.memory_space<vmem>>)
        tpu.yield
      }) : () -> ()
      %mul3A_14 = arith.constant 50 : i32
      %mul3A_15 = arith.muli %add3A_11, %mul3A_14 : i32
      "tpu.region"() ({
        %run_scoped3A = tpu.sem_alloc : memref<!tpu.dma_semaphore, #tpu.memory_space<semaphore_mem>>
        %dma_start3A_630 = tpu.memref_slice %arg3[%mul3A_15] : memref<819200xi32, #tpu.memory_space<hbm>> -> memref<3200xi32, #tpu.memory_space<hbm>>
        %dma_start3A_631 = tpu.memref_slice %arg3[%mul3A_15] : memref<819200xi32, #tpu.memory_space<hbm>> -> memref<3200xi32, #tpu.memory_space<hbm>>
        tpu.enqueue_dma source(%dma_start3A_631 : memref<3200xi32, #tpu.memory_space<hbm>>) target(%arg9 : memref<3200xi32, #tpu.memory_space<vmem>>) target_semaphore(%run_scoped3A : memref<!tpu.dma_semaphore, #tpu.memory_space<semaphore_mem>>)
        %dma_wait3A_632 = tpu.memref_slice %arg3[%mul3A_15] : memref<819200xi32, #tpu.memory_space<hbm>> -> memref<3200xi32, #tpu.memory_space<hbm>>
        %dma_wait3A_633 = tpu.memref_slice %arg3[%mul3A_15] : memref<819200xi32, #tpu.memory_space<hbm>> -> memref<3200xi32, #tpu.memory_space<hbm>>
        tpu.wait_dma2 semaphore(%run_scoped3A : memref<!tpu.dma_semaphore, #tpu.memory_space<semaphore_mem>>) src(%dma_wait3A_633 : memref<3200xi32, #tpu.memory_space<hbm>>) dst(%arg9 : memref<3200xi32, #tpu.memory_space<vmem>>)
        tpu.yield
      }) : () -> ()
      %dma_start3A = arith.constant 0 : i32
      %dma_start3A_16 = arith.constant 0 : i32
      %dma_start3A_17 = tpu.memref_slice %arg10[%dma_start3A, %dma_start3A_16] : memref<1664x16xf32, #tpu.memory_space<vmem>> -> memref<128x16xf32, #tpu.memory_space<vmem>>
      %dma_start3A_18 = arith.constant 0 : i32
      %dma_start3A_19 = tpu.memref_slice %arg8[%dma_start3A_18] : memref<1664xi32, #tpu.memory_space<vmem>> -> memref<128xi32, #tpu.memory_space<vmem>>
      %dma_start3A_20 = arith.constant 0 : i32
      %dma_start3A_21 = arith.constant 0 : i32
      %dma_start3A_22 = tpu.memref_slice %arg4[%dma_start3A_20, %dma_start3A_21] : memref<2600000x16xf32, #tpu.memory_space<hbm>> -> memref<2600000x16xf32, #tpu.memory_space<hbm>>
      tpu.enqueue_indirect_dma source(%dma_start3A_22 : memref<2600000x16xf32, #tpu.memory_space<hbm>>) target(%dma_start3A_17 : memref<128x16xf32, #tpu.memory_space<vmem>>) offsets(%dma_start3A_19 : memref<128xi32, #tpu.memory_space<vmem>>) semaphore(%arg13 : memref<!tpu.dma_semaphore, #tpu.memory_space<semaphore_mem>>)
      %dma_start3A_23 = arith.constant 128 : i32
      %dma_start3A_24 = arith.constant 0 : i32
      %dma_start3A_25 = tpu.memref_slice %arg10[%dma_start3A_23, %dma_start3A_24] : memref<1664x16xf32, #tpu.memory_space<vmem>> -> memref<128x16xf32, #tpu.memory_space<vmem>>
      %dma_start3A_26 = arith.constant 128 : i32
      %dma_start3A_27 = tpu.memref_slice %arg8[%dma_start3A_26] : memref<1664xi32, #tpu.memory_space<vmem>> -> memref<128xi32, #tpu.memory_space<vmem>>
      %dma_start3A_28 = arith.constant 0 : i32
      %dma_start3A_29 = arith.constant 0 : i32
      %dma_start3A_30 = tpu.memref_slice %arg4[%dma_start3A_28, %dma_start3A_29] : memref<2600000x16xf32, #tpu.memory_space<hbm>> -> memref<2600000x16xf32, #tpu.memory_space<hbm>>
      tpu.enqueue_indirect_dma source(%dma_start3A_30 : memref<2600000x16xf32, #tpu.memory_space<hbm>>) target(%dma_start3A_25 : memref<128x16xf32, #tpu.memory_space<vmem>>) offsets(%dma_start3A_27 : memref<128xi32, #tpu.memory_space<vmem>>) semaphore(%arg13 : memref<!tpu.dma_semaphore, #tpu.memory_space<semaphore_mem>>)
      %dma_start3A_31 = arith.constant 256 : i32
      %dma_start3A_32 = arith.constant 0 : i32
      %dma_start3A_33 = tpu.memref_slice %arg10[%dma_start3A_31, %dma_start3A_32] : memref<1664x16xf32, #tpu.memory_space<vmem>> -> memref<128x16xf32, #tpu.memory_space<vmem>>
      %dma_start3A_34 = arith.constant 256 : i32
      %dma_start3A_35 = tpu.memref_slice %arg8[%dma_start3A_34] : memref<1664xi32, #tpu.memory_space<vmem>> -> memref<128xi32, #tpu.memory_space<vmem>>
      %dma_start3A_36 = arith.constant 0 : i32
      %dma_start3A_37 = arith.constant 0 : i32
      %dma_start3A_38 = tpu.memref_slice %arg4[%dma_start3A_36, %dma_start3A_37] : memref<2600000x16xf32, #tpu.memory_space<hbm>> -> memref<2600000x16xf32, #tpu.memory_space<hbm>>
      tpu.enqueue_indirect_dma source(%dma_start3A_38 : memref<2600000x16xf32, #tpu.memory_space<hbm>>) target(%dma_start3A_33 : memref<128x16xf32, #tpu.memory_space<vmem>>) offsets(%dma_start3A_35 : memref<128xi32, #tpu.memory_space<vmem>>) semaphore(%arg13 : memref<!tpu.dma_semaphore, #tpu.memory_space<semaphore_mem>>)
      %dma_start3A_39 = arith.constant 384 : i32
      %dma_start3A_40 = arith.constant 0 : i32
      %dma_start3A_41 = tpu.memref_slice %arg10[%dma_start3A_39, %dma_start3A_40] : memref<1664x16xf32, #tpu.memory_space<vmem>> -> memref<128x16xf32, #tpu.memory_space<vmem>>
      %dma_start3A_42 = arith.constant 384 : i32
      %dma_start3A_43 = tpu.memref_slice %arg8[%dma_start3A_42] : memref<1664xi32, #tpu.memory_space<vmem>> -> memref<128xi32, #tpu.memory_space<vmem>>
      %dma_start3A_44 = arith.constant 0 : i32
      %dma_start3A_45 = arith.constant 0 : i32
      %dma_start3A_46 = tpu.memref_slice %arg4[%dma_start3A_44, %dma_start3A_45] : memref<2600000x16xf32, #tpu.memory_space<hbm>> -> memref<2600000x16xf32, #tpu.memory_space<hbm>>
      tpu.enqueue_indirect_dma source(%dma_start3A_46 : memref<2600000x16xf32, #tpu.memory_space<hbm>>) target(%dma_start3A_41 : memref<128x16xf32, #tpu.memory_space<vmem>>) offsets(%dma_start3A_43 : memref<128xi32, #tpu.memory_space<vmem>>) semaphore(%arg13 : memref<!tpu.dma_semaphore, #tpu.memory_space<semaphore_mem>>)
      %dma_start3A_47 = arith.constant 512 : i32
      %dma_start3A_48 = arith.constant 0 : i32
      %dma_start3A_49 = tpu.memref_slice %arg10[%dma_start3A_47, %dma_start3A_48] : memref<1664x16xf32, #tpu.memory_space<vmem>> -> memref<128x16xf32, #tpu.memory_space<vmem>>
      %dma_start3A_50 = arith.constant 512 : i32
      %dma_start3A_51 = tpu.memref_slice %arg8[%dma_start3A_50] : memref<1664xi32, #tpu.memory_space<vmem>> -> memref<128xi32, #tpu.memory_space<vmem>>
      %dma_start3A_52 = arith.constant 0 : i32
      %dma_start3A_53 = arith.constant 0 : i32
      %dma_start3A_54 = tpu.memref_slice %arg4[%dma_start3A_52, %dma_start3A_53] : memref<2600000x16xf32, #tpu.memory_space<hbm>> -> memref<2600000x16xf32, #tpu.memory_space<hbm>>
      tpu.enqueue_indirect_dma source(%dma_start3A_54 : memref<2600000x16xf32, #tpu.memory_space<hbm>>) target(%dma_start3A_49 : memref<128x16xf32, #tpu.memory_space<vmem>>) offsets(%dma_start3A_51 : memref<128xi32, #tpu.memory_space<vmem>>) semaphore(%arg13 : memref<!tpu.dma_semaphore, #tpu.memory_space<semaphore_mem>>)
      %dma_start3A_55 = arith.constant 640 : i32
      %dma_start3A_56 = arith.constant 0 : i32
      %dma_start3A_57 = tpu.memref_slice %arg10[%dma_start3A_55, %dma_start3A_56] : memref<1664x16xf32, #tpu.memory_space<vmem>> -> memref<128x16xf32, #tpu.memory_space<vmem>>
      %dma_start3A_58 = arith.constant 640 : i32
      %dma_start3A_59 = tpu.memref_slice %arg8[%dma_start3A_58] : memref<1664xi32, #tpu.memory_space<vmem>> -> memref<128xi32, #tpu.memory_space<vmem>>
      %dma_start3A_60 = arith.constant 0 : i32
      %dma_start3A_61 = arith.constant 0 : i32
      %dma_start3A_62 = tpu.memref_slice %arg4[%dma_start3A_60, %dma_start3A_61] : memref<2600000x16xf32, #tpu.memory_space<hbm>> -> memref<2600000x16xf32, #tpu.memory_space<hbm>>
      tpu.enqueue_indirect_dma source(%dma_start3A_62 : memref<2600000x16xf32, #tpu.memory_space<hbm>>) target(%dma_start3A_57 : memref<128x16xf32, #tpu.memory_space<vmem>>) offsets(%dma_start3A_59 : memref<128xi32, #tpu.memory_space<vmem>>) semaphore(%arg13 : memref<!tpu.dma_semaphore, #tpu.memory_space<semaphore_mem>>)
      %dma_start3A_63 = arith.constant 768 : i32
      %dma_start3A_64 = arith.constant 0 : i32
      %dma_start3A_65 = tpu.memref_slice %arg10[%dma_start3A_63, %dma_start3A_64] : memref<1664x16xf32, #tpu.memory_space<vmem>> -> memref<128x16xf32, #tpu.memory_space<vmem>>
      %dma_start3A_66 = arith.constant 768 : i32
      %dma_start3A_67 = tpu.memref_slice %arg8[%dma_start3A_66] : memref<1664xi32, #tpu.memory_space<vmem>> -> memref<128xi32, #tpu.memory_space<vmem>>
      %dma_start3A_68 = arith.constant 0 : i32
      %dma_start3A_69 = arith.constant 0 : i32
      %dma_start3A_70 = tpu.memref_slice %arg4[%dma_start3A_68, %dma_start3A_69] : memref<2600000x16xf32, #tpu.memory_space<hbm>> -> memref<2600000x16xf32, #tpu.memory_space<hbm>>
      tpu.enqueue_indirect_dma source(%dma_start3A_70 : memref<2600000x16xf32, #tpu.memory_space<hbm>>) target(%dma_start3A_65 : memref<128x16xf32, #tpu.memory_space<vmem>>) offsets(%dma_start3A_67 : memref<128xi32, #tpu.memory_space<vmem>>) semaphore(%arg13 : memref<!tpu.dma_semaphore, #tpu.memory_space<semaphore_mem>>)
      %dma_start3A_71 = arith.constant 896 : i32
      %dma_start3A_72 = arith.constant 0 : i32
      %dma_start3A_73 = tpu.memref_slice %arg10[%dma_start3A_71, %dma_start3A_72] : memref<1664x16xf32, #tpu.memory_space<vmem>> -> memref<128x16xf32, #tpu.memory_space<vmem>>
      %dma_start3A_74 = arith.constant 896 : i32
      %dma_start3A_75 = tpu.memref_slice %arg8[%dma_start3A_74] : memref<1664xi32, #tpu.memory_space<vmem>> -> memref<128xi32, #tpu.memory_space<vmem>>
      %dma_start3A_76 = arith.constant 0 : i32
      %dma_start3A_77 = arith.constant 0 : i32
      %dma_start3A_78 = tpu.memref_slice %arg4[%dma_start3A_76, %dma_start3A_77] : memref<2600000x16xf32, #tpu.memory_space<hbm>> -> memref<2600000x16xf32, #tpu.memory_space<hbm>>
      tpu.enqueue_indirect_dma source(%dma_start3A_78 : memref<2600000x16xf32, #tpu.memory_space<hbm>>) target(%dma_start3A_73 : memref<128x16xf32, #tpu.memory_space<vmem>>) offsets(%dma_start3A_75 : memref<128xi32, #tpu.memory_space<vmem>>) semaphore(%arg13 : memref<!tpu.dma_semaphore, #tpu.memory_space<semaphore_mem>>)
      %dma_start3A_79 = arith.constant 1024 : i32
      %dma_start3A_80 = arith.constant 0 : i32
      %dma_start3A_81 = tpu.memref_slice %arg10[%dma_start3A_79, %dma_start3A_80] : memref<1664x16xf32, #tpu.memory_space<vmem>> -> memref<128x16xf32, #tpu.memory_space<vmem>>
      %dma_start3A_82 = arith.constant 1024 : i32
      %dma_start3A_83 = tpu.memref_slice %arg8[%dma_start3A_82] : memref<1664xi32, #tpu.memory_space<vmem>> -> memref<128xi32, #tpu.memory_space<vmem>>
      %dma_start3A_84 = arith.constant 0 : i32
      %dma_start3A_85 = arith.constant 0 : i32
      %dma_start3A_86 = tpu.memref_slice %arg4[%dma_start3A_84, %dma_start3A_85] : memref<2600000x16xf32, #tpu.memory_space<hbm>> -> memref<2600000x16xf32, #tpu.memory_space<hbm>>
      tpu.enqueue_indirect_dma source(%dma_start3A_86 : memref<2600000x16xf32, #tpu.memory_space<hbm>>) target(%dma_start3A_81 : memref<128x16xf32, #tpu.memory_space<vmem>>) offsets(%dma_start3A_83 : memref<128xi32, #tpu.memory_space<vmem>>) semaphore(%arg13 : memref<!tpu.dma_semaphore, #tpu.memory_space<semaphore_mem>>)
      %dma_start3A_87 = arith.constant 1152 : i32
      %dma_start3A_88 = arith.constant 0 : i32
      %dma_start3A_89 = tpu.memref_slice %arg10[%dma_start3A_87, %dma_start3A_88] : memref<1664x16xf32, #tpu.memory_space<vmem>> -> memref<128x16xf32, #tpu.memory_space<vmem>>
      %dma_start3A_90 = arith.constant 1152 : i32
      %dma_start3A_91 = tpu.memref_slice %arg8[%dma_start3A_90] : memref<1664xi32, #tpu.memory_space<vmem>> -> memref<128xi32, #tpu.memory_space<vmem>>
      %dma_start3A_92 = arith.constant 0 : i32
      %dma_start3A_93 = arith.constant 0 : i32
      %dma_start3A_94 = tpu.memref_slice %arg4[%dma_start3A_92, %dma_start3A_93] : memref<2600000x16xf32, #tpu.memory_space<hbm>> -> memref<2600000x16xf32, #tpu.memory_space<hbm>>
      tpu.enqueue_indirect_dma source(%dma_start3A_94 : memref<2600000x16xf32, #tpu.memory_space<hbm>>) target(%dma_start3A_89 : memref<128x16xf32, #tpu.memory_space<vmem>>) offsets(%dma_start3A_91 : memref<128xi32, #tpu.memory_space<vmem>>) semaphore(%arg13 : memref<!tpu.dma_semaphore, #tpu.memory_space<semaphore_mem>>)
      %dma_start3A_95 = arith.constant 1280 : i32
      %dma_start3A_96 = arith.constant 0 : i32
      %dma_start3A_97 = tpu.memref_slice %arg10[%dma_start3A_95, %dma_start3A_96] : memref<1664x16xf32, #tpu.memory_space<vmem>> -> memref<128x16xf32, #tpu.memory_space<vmem>>
      %dma_start3A_98 = arith.constant 1280 : i32
      %dma_start3A_99 = tpu.memref_slice %arg8[%dma_start3A_98] : memref<1664xi32, #tpu.memory_space<vmem>> -> memref<128xi32, #tpu.memory_space<vmem>>
      %dma_start3A_100 = arith.constant 0 : i32
      %dma_start3A_101 = arith.constant 0 : i32
      %dma_start3A_102 = tpu.memref_slice %arg4[%dma_start3A_100, %dma_start3A_101] : memref<2600000x16xf32, #tpu.memory_space<hbm>> -> memref<2600000x16xf32, #tpu.memory_space<hbm>>
      tpu.enqueue_indirect_dma source(%dma_start3A_102 : memref<2600000x16xf32, #tpu.memory_space<hbm>>) target(%dma_start3A_97 : memref<128x16xf32, #tpu.memory_space<vmem>>) offsets(%dma_start3A_99 : memref<128xi32, #tpu.memory_space<vmem>>) semaphore(%arg13 : memref<!tpu.dma_semaphore, #tpu.memory_space<semaphore_mem>>)
      %dma_start3A_103 = arith.constant 1408 : i32
      %dma_start3A_104 = arith.constant 0 : i32
      %dma_start3A_105 = tpu.memref_slice %arg10[%dma_start3A_103, %dma_start3A_104] : memref<1664x16xf32, #tpu.memory_space<vmem>> -> memref<128x16xf32, #tpu.memory_space<vmem>>
      %dma_start3A_106 = arith.constant 1408 : i32
      %dma_start3A_107 = tpu.memref_slice %arg8[%dma_start3A_106] : memref<1664xi32, #tpu.memory_space<vmem>> -> memref<128xi32, #tpu.memory_space<vmem>>
      %dma_start3A_108 = arith.constant 0 : i32
      %dma_start3A_109 = arith.constant 0 : i32
      %dma_start3A_110 = tpu.memref_slice %arg4[%dma_start3A_108, %dma_start3A_109] : memref<2600000x16xf32, #tpu.memory_space<hbm>> -> memref<2600000x16xf32, #tpu.memory_space<hbm>>
      tpu.enqueue_indirect_dma source(%dma_start3A_110 : memref<2600000x16xf32, #tpu.memory_space<hbm>>) target(%dma_start3A_105 : memref<128x16xf32, #tpu.memory_space<vmem>>) offsets(%dma_start3A_107 : memref<128xi32, #tpu.memory_space<vmem>>) semaphore(%arg13 : memref<!tpu.dma_semaphore, #tpu.memory_space<semaphore_mem>>)
      %dma_start3A_111 = arith.constant 1536 : i32
      %dma_start3A_112 = arith.constant 0 : i32
      %dma_start3A_113 = tpu.memref_slice %arg10[%dma_start3A_111, %dma_start3A_112] : memref<1664x16xf32, #tpu.memory_space<vmem>> -> memref<128x16xf32, #tpu.memory_space<vmem>>
      %dma_start3A_114 = arith.constant 1536 : i32
      %dma_start3A_115 = tpu.memref_slice %arg8[%dma_start3A_114] : memref<1664xi32, #tpu.memory_space<vmem>> -> memref<128xi32, #tpu.memory_space<vmem>>
      %dma_start3A_116 = arith.constant 0 : i32
      %dma_start3A_117 = arith.constant 0 : i32
      %dma_start3A_118 = tpu.memref_slice %arg4[%dma_start3A_116, %dma_start3A_117] : memref<2600000x16xf32, #tpu.memory_space<hbm>> -> memref<2600000x16xf32, #tpu.memory_space<hbm>>
      tpu.enqueue_indirect_dma source(%dma_start3A_118 : memref<2600000x16xf32, #tpu.memory_space<hbm>>) target(%dma_start3A_113 : memref<128x16xf32, #tpu.memory_space<vmem>>) offsets(%dma_start3A_115 : memref<128xi32, #tpu.memory_space<vmem>>) semaphore(%arg13 : memref<!tpu.dma_semaphore, #tpu.memory_space<semaphore_mem>>)
      %dma_start3A_119 = arith.constant 0 : i32
      %dma_start3A_120 = arith.constant 0 : i32
      %dma_start3A_121 = tpu.memref_slice %arg11[%dma_start3A_119, %dma_start3A_120] : memref<3200x16xf32, #tpu.memory_space<vmem>> -> memref<128x16xf32, #tpu.memory_space<vmem>>
      %dma_start3A_122 = arith.constant 0 : i32
      %dma_start3A_123 = tpu.memref_slice %arg9[%dma_start3A_122] : memref<3200xi32, #tpu.memory_space<vmem>> -> memref<128xi32, #tpu.memory_space<vmem>>
      %dma_start3A_124 = arith.constant 0 : i32
      %dma_start3A_125 = arith.constant 0 : i32
      %dma_start3A_126 = tpu.memref_slice %arg5[%dma_start3A_124, %dma_start3A_125] : memref<100000x16xf32, #tpu.memory_space<hbm>> -> memref<100000x16xf32, #tpu.memory_space<hbm>>
      tpu.enqueue_indirect_dma source(%dma_start3A_126 : memref<100000x16xf32, #tpu.memory_space<hbm>>) target(%dma_start3A_121 : memref<128x16xf32, #tpu.memory_space<vmem>>) offsets(%dma_start3A_123 : memref<128xi32, #tpu.memory_space<vmem>>) semaphore(%arg13 : memref<!tpu.dma_semaphore, #tpu.memory_space<semaphore_mem>>)
      %dma_start3A_127 = arith.constant 128 : i32
      %dma_start3A_128 = arith.constant 0 : i32
      %dma_start3A_129 = tpu.memref_slice %arg11[%dma_start3A_127, %dma_start3A_128] : memref<3200x16xf32, #tpu.memory_space<vmem>> -> memref<128x16xf32, #tpu.memory_space<vmem>>
      %dma_start3A_130 = arith.constant 128 : i32
      %dma_start3A_131 = tpu.memref_slice %arg9[%dma_start3A_130] : memref<3200xi32, #tpu.memory_space<vmem>> -> memref<128xi32, #tpu.memory_space<vmem>>
      %dma_start3A_132 = arith.constant 0 : i32
      %dma_start3A_133 = arith.constant 0 : i32
      %dma_start3A_134 = tpu.memref_slice %arg5[%dma_start3A_132, %dma_start3A_133] : memref<100000x16xf32, #tpu.memory_space<hbm>> -> memref<100000x16xf32, #tpu.memory_space<hbm>>
      tpu.enqueue_indirect_dma source(%dma_start3A_134 : memref<100000x16xf32, #tpu.memory_space<hbm>>) target(%dma_start3A_129 : memref<128x16xf32, #tpu.memory_space<vmem>>) offsets(%dma_start3A_131 : memref<128xi32, #tpu.memory_space<vmem>>) semaphore(%arg13 : memref<!tpu.dma_semaphore, #tpu.memory_space<semaphore_mem>>)
      %dma_start3A_135 = arith.constant 256 : i32
      %dma_start3A_136 = arith.constant 0 : i32
      %dma_start3A_137 = tpu.memref_slice %arg11[%dma_start3A_135, %dma_start3A_136] : memref<3200x16xf32, #tpu.memory_space<vmem>> -> memref<128x16xf32, #tpu.memory_space<vmem>>
      %dma_start3A_138 = arith.constant 256 : i32
      %dma_start3A_139 = tpu.memref_slice %arg9[%dma_start3A_138] : memref<3200xi32, #tpu.memory_space<vmem>> -> memref<128xi32, #tpu.memory_space<vmem>>
      %dma_start3A_140 = arith.constant 0 : i32
      %dma_start3A_141 = arith.constant 0 : i32
      %dma_start3A_142 = tpu.memref_slice %arg5[%dma_start3A_140, %dma_start3A_141] : memref<100000x16xf32, #tpu.memory_space<hbm>> -> memref<100000x16xf32, #tpu.memory_space<hbm>>
      tpu.enqueue_indirect_dma source(%dma_start3A_142 : memref<100000x16xf32, #tpu.memory_space<hbm>>) target(%dma_start3A_137 : memref<128x16xf32, #tpu.memory_space<vmem>>) offsets(%dma_start3A_139 : memref<128xi32, #tpu.memory_space<vmem>>) semaphore(%arg13 : memref<!tpu.dma_semaphore, #tpu.memory_space<semaphore_mem>>)
      %dma_start3A_143 = arith.constant 384 : i32
      %dma_start3A_144 = arith.constant 0 : i32
      %dma_start3A_145 = tpu.memref_slice %arg11[%dma_start3A_143, %dma_start3A_144] : memref<3200x16xf32, #tpu.memory_space<vmem>> -> memref<128x16xf32, #tpu.memory_space<vmem>>
      %dma_start3A_146 = arith.constant 384 : i32
      %dma_start3A_147 = tpu.memref_slice %arg9[%dma_start3A_146] : memref<3200xi32, #tpu.memory_space<vmem>> -> memref<128xi32, #tpu.memory_space<vmem>>
      %dma_start3A_148 = arith.constant 0 : i32
      %dma_start3A_149 = arith.constant 0 : i32
      %dma_start3A_150 = tpu.memref_slice %arg5[%dma_start3A_148, %dma_start3A_149] : memref<100000x16xf32, #tpu.memory_space<hbm>> -> memref<100000x16xf32, #tpu.memory_space<hbm>>
      tpu.enqueue_indirect_dma source(%dma_start3A_150 : memref<100000x16xf32, #tpu.memory_space<hbm>>) target(%dma_start3A_145 : memref<128x16xf32, #tpu.memory_space<vmem>>) offsets(%dma_start3A_147 : memref<128xi32, #tpu.memory_space<vmem>>) semaphore(%arg13 : memref<!tpu.dma_semaphore, #tpu.memory_space<semaphore_mem>>)
      %dma_start3A_151 = arith.constant 512 : i32
      %dma_start3A_152 = arith.constant 0 : i32
      %dma_start3A_153 = tpu.memref_slice %arg11[%dma_start3A_151, %dma_start3A_152] : memref<3200x16xf32, #tpu.memory_space<vmem>> -> memref<128x16xf32, #tpu.memory_space<vmem>>
      %dma_start3A_154 = arith.constant 512 : i32
      %dma_start3A_155 = tpu.memref_slice %arg9[%dma_start3A_154] : memref<3200xi32, #tpu.memory_space<vmem>> -> memref<128xi32, #tpu.memory_space<vmem>>
      %dma_start3A_156 = arith.constant 0 : i32
      %dma_start3A_157 = arith.constant 0 : i32
      %dma_start3A_158 = tpu.memref_slice %arg5[%dma_start3A_156, %dma_start3A_157] : memref<100000x16xf32, #tpu.memory_space<hbm>> -> memref<100000x16xf32, #tpu.memory_space<hbm>>
      tpu.enqueue_indirect_dma source(%dma_start3A_158 : memref<100000x16xf32, #tpu.memory_space<hbm>>) target(%dma_start3A_153 : memref<128x16xf32, #tpu.memory_space<vmem>>) offsets(%dma_start3A_155 : memref<128xi32, #tpu.memory_space<vmem>>) semaphore(%arg13 : memref<!tpu.dma_semaphore, #tpu.memory_space<semaphore_mem>>)
      %dma_start3A_159 = arith.constant 640 : i32
      %dma_start3A_160 = arith.constant 0 : i32
      %dma_start3A_161 = tpu.memref_slice %arg11[%dma_start3A_159, %dma_start3A_160] : memref<3200x16xf32, #tpu.memory_space<vmem>> -> memref<128x16xf32, #tpu.memory_space<vmem>>
      %dma_start3A_162 = arith.constant 640 : i32
      %dma_start3A_163 = tpu.memref_slice %arg9[%dma_start3A_162] : memref<3200xi32, #tpu.memory_space<vmem>> -> memref<128xi32, #tpu.memory_space<vmem>>
      %dma_start3A_164 = arith.constant 0 : i32
      %dma_start3A_165 = arith.constant 0 : i32
      %dma_start3A_166 = tpu.memref_slice %arg5[%dma_start3A_164, %dma_start3A_165] : memref<100000x16xf32, #tpu.memory_space<hbm>> -> memref<100000x16xf32, #tpu.memory_space<hbm>>
      tpu.enqueue_indirect_dma source(%dma_start3A_166 : memref<100000x16xf32, #tpu.memory_space<hbm>>) target(%dma_start3A_161 : memref<128x16xf32, #tpu.memory_space<vmem>>) offsets(%dma_start3A_163 : memref<128xi32, #tpu.memory_space<vmem>>) semaphore(%arg13 : memref<!tpu.dma_semaphore, #tpu.memory_space<semaphore_mem>>)
      %dma_start3A_167 = arith.constant 768 : i32
      %dma_start3A_168 = arith.constant 0 : i32
      %dma_start3A_169 = tpu.memref_slice %arg11[%dma_start3A_167, %dma_start3A_168] : memref<3200x16xf32, #tpu.memory_space<vmem>> -> memref<128x16xf32, #tpu.memory_space<vmem>>
      %dma_start3A_170 = arith.constant 768 : i32
      %dma_start3A_171 = tpu.memref_slice %arg9[%dma_start3A_170] : memref<3200xi32, #tpu.memory_space<vmem>> -> memref<128xi32, #tpu.memory_space<vmem>>
      %dma_start3A_172 = arith.constant 0 : i32
      %dma_start3A_173 = arith.constant 0 : i32
      %dma_start3A_174 = tpu.memref_slice %arg5[%dma_start3A_172, %dma_start3A_173] : memref<100000x16xf32, #tpu.memory_space<hbm>> -> memref<100000x16xf32, #tpu.memory_space<hbm>>
      tpu.enqueue_indirect_dma source(%dma_start3A_174 : memref<100000x16xf32, #tpu.memory_space<hbm>>) target(%dma_start3A_169 : memref<128x16xf32, #tpu.memory_space<vmem>>) offsets(%dma_start3A_171 : memref<128xi32, #tpu.memory_space<vmem>>) semaphore(%arg13 : memref<!tpu.dma_semaphore, #tpu.memory_space<semaphore_mem>>)
      %dma_start3A_175 = arith.constant 896 : i32
      %dma_start3A_176 = arith.constant 0 : i32
      %dma_start3A_177 = tpu.memref_slice %arg11[%dma_start3A_175, %dma_start3A_176] : memref<3200x16xf32, #tpu.memory_space<vmem>> -> memref<128x16xf32, #tpu.memory_space<vmem>>
      %dma_start3A_178 = arith.constant 896 : i32
      %dma_start3A_179 = tpu.memref_slice %arg9[%dma_start3A_178] : memref<3200xi32, #tpu.memory_space<vmem>> -> memref<128xi32, #tpu.memory_space<vmem>>
      %dma_start3A_180 = arith.constant 0 : i32
      %dma_start3A_181 = arith.constant 0 : i32
      %dma_start3A_182 = tpu.memref_slice %arg5[%dma_start3A_180, %dma_start3A_181] : memref<100000x16xf32, #tpu.memory_space<hbm>> -> memref<100000x16xf32, #tpu.memory_space<hbm>>
      tpu.enqueue_indirect_dma source(%dma_start3A_182 : memref<100000x16xf32, #tpu.memory_space<hbm>>) target(%dma_start3A_177 : memref<128x16xf32, #tpu.memory_space<vmem>>) offsets(%dma_start3A_179 : memref<128xi32, #tpu.memory_space<vmem>>) semaphore(%arg13 : memref<!tpu.dma_semaphore, #tpu.memory_space<semaphore_mem>>)
      %dma_start3A_183 = arith.constant 1024 : i32
      %dma_start3A_184 = arith.constant 0 : i32
      %dma_start3A_185 = tpu.memref_slice %arg11[%dma_start3A_183, %dma_start3A_184] : memref<3200x16xf32, #tpu.memory_space<vmem>> -> memref<128x16xf32, #tpu.memory_space<vmem>>
      %dma_start3A_186 = arith.constant 1024 : i32
      %dma_start3A_187 = tpu.memref_slice %arg9[%dma_start3A_186] : memref<3200xi32, #tpu.memory_space<vmem>> -> memref<128xi32, #tpu.memory_space<vmem>>
      %dma_start3A_188 = arith.constant 0 : i32
      %dma_start3A_189 = arith.constant 0 : i32
      %dma_start3A_190 = tpu.memref_slice %arg5[%dma_start3A_188, %dma_start3A_189] : memref<100000x16xf32, #tpu.memory_space<hbm>> -> memref<100000x16xf32, #tpu.memory_space<hbm>>
      tpu.enqueue_indirect_dma source(%dma_start3A_190 : memref<100000x16xf32, #tpu.memory_space<hbm>>) target(%dma_start3A_185 : memref<128x16xf32, #tpu.memory_space<vmem>>) offsets(%dma_start3A_187 : memref<128xi32, #tpu.memory_space<vmem>>) semaphore(%arg13 : memref<!tpu.dma_semaphore, #tpu.memory_space<semaphore_mem>>)
      %dma_start3A_191 = arith.constant 1152 : i32
      %dma_start3A_192 = arith.constant 0 : i32
      %dma_start3A_193 = tpu.memref_slice %arg11[%dma_start3A_191, %dma_start3A_192] : memref<3200x16xf32, #tpu.memory_space<vmem>> -> memref<128x16xf32, #tpu.memory_space<vmem>>
      %dma_start3A_194 = arith.constant 1152 : i32
      %dma_start3A_195 = tpu.memref_slice %arg9[%dma_start3A_194] : memref<3200xi32, #tpu.memory_space<vmem>> -> memref<128xi32, #tpu.memory_space<vmem>>
      %dma_start3A_196 = arith.constant 0 : i32
      %dma_start3A_197 = arith.constant 0 : i32
      %dma_start3A_198 = tpu.memref_slice %arg5[%dma_start3A_196, %dma_start3A_197] : memref<100000x16xf32, #tpu.memory_space<hbm>> -> memref<100000x16xf32, #tpu.memory_space<hbm>>
      tpu.enqueue_indirect_dma source(%dma_start3A_198 : memref<100000x16xf32, #tpu.memory_space<hbm>>) target(%dma_start3A_193 : memref<128x16xf32, #tpu.memory_space<vmem>>) offsets(%dma_start3A_195 : memref<128xi32, #tpu.memory_space<vmem>>) semaphore(%arg13 : memref<!tpu.dma_semaphore, #tpu.memory_space<semaphore_mem>>)
      %dma_start3A_199 = arith.constant 1280 : i32
      %dma_start3A_200 = arith.constant 0 : i32
      %dma_start3A_201 = tpu.memref_slice %arg11[%dma_start3A_199, %dma_start3A_200] : memref<3200x16xf32, #tpu.memory_space<vmem>> -> memref<128x16xf32, #tpu.memory_space<vmem>>
      %dma_start3A_202 = arith.constant 1280 : i32
      %dma_start3A_203 = tpu.memref_slice %arg9[%dma_start3A_202] : memref<3200xi32, #tpu.memory_space<vmem>> -> memref<128xi32, #tpu.memory_space<vmem>>
      %dma_start3A_204 = arith.constant 0 : i32
      %dma_start3A_205 = arith.constant 0 : i32
      %dma_start3A_206 = tpu.memref_slice %arg5[%dma_start3A_204, %dma_start3A_205] : memref<100000x16xf32, #tpu.memory_space<hbm>> -> memref<100000x16xf32, #tpu.memory_space<hbm>>
      tpu.enqueue_indirect_dma source(%dma_start3A_206 : memref<100000x16xf32, #tpu.memory_space<hbm>>) target(%dma_start3A_201 : memref<128x16xf32, #tpu.memory_space<vmem>>) offsets(%dma_start3A_203 : memref<128xi32, #tpu.memory_space<vmem>>) semaphore(%arg13 : memref<!tpu.dma_semaphore, #tpu.memory_space<semaphore_mem>>)
      %dma_start3A_207 = arith.constant 1408 : i32
      %dma_start3A_208 = arith.constant 0 : i32
      %dma_start3A_209 = tpu.memref_slice %arg11[%dma_start3A_207, %dma_start3A_208] : memref<3200x16xf32, #tpu.memory_space<vmem>> -> memref<128x16xf32, #tpu.memory_space<vmem>>
      %dma_start3A_210 = arith.constant 1408 : i32
      %dma_start3A_211 = tpu.memref_slice %arg9[%dma_start3A_210] : memref<3200xi32, #tpu.memory_space<vmem>> -> memref<128xi32, #tpu.memory_space<vmem>>
      %dma_start3A_212 = arith.constant 0 : i32
      %dma_start3A_213 = arith.constant 0 : i32
      %dma_start3A_214 = tpu.memref_slice %arg5[%dma_start3A_212, %dma_start3A_213] : memref<100000x16xf32, #tpu.memory_space<hbm>> -> memref<100000x16xf32, #tpu.memory_space<hbm>>
      tpu.enqueue_indirect_dma source(%dma_start3A_214 : memref<100000x16xf32, #tpu.memory_space<hbm>>) target(%dma_start3A_209 : memref<128x16xf32, #tpu.memory_space<vmem>>) offsets(%dma_start3A_211 : memref<128xi32, #tpu.memory_space<vmem>>) semaphore(%arg13 : memref<!tpu.dma_semaphore, #tpu.memory_space<semaphore_mem>>)
      %dma_start3A_215 = arith.constant 1536 : i32
      %dma_start3A_216 = arith.constant 0 : i32
      %dma_start3A_217 = tpu.memref_slice %arg11[%dma_start3A_215, %dma_start3A_216] : memref<3200x16xf32, #tpu.memory_space<vmem>> -> memref<128x16xf32, #tpu.memory_space<vmem>>
      %dma_start3A_218 = arith.constant 1536 : i32
      %dma_start3A_219 = tpu.memref_slice %arg9[%dma_start3A_218] : memref<3200xi32, #tpu.memory_space<vmem>> -> memref<128xi32, #tpu.memory_space<vmem>>
      %dma_start3A_220 = arith.constant 0 : i32
      %dma_start3A_221 = arith.constant 0 : i32
      %dma_start3A_222 = tpu.memref_slice %arg5[%dma_start3A_220, %dma_start3A_221] : memref<100000x16xf32, #tpu.memory_space<hbm>> -> memref<100000x16xf32, #tpu.memory_space<hbm>>
      tpu.enqueue_indirect_dma source(%dma_start3A_222 : memref<100000x16xf32, #tpu.memory_space<hbm>>) target(%dma_start3A_217 : memref<128x16xf32, #tpu.memory_space<vmem>>) offsets(%dma_start3A_219 : memref<128xi32, #tpu.memory_space<vmem>>) semaphore(%arg13 : memref<!tpu.dma_semaphore, #tpu.memory_space<semaphore_mem>>)
      %dma_start3A_223 = arith.constant 1664 : i32
      %dma_start3A_224 = arith.constant 0 : i32
      %dma_start3A_225 = tpu.memref_slice %arg11[%dma_start3A_223, %dma_start3A_224] : memref<3200x16xf32, #tpu.memory_space<vmem>> -> memref<128x16xf32, #tpu.memory_space<vmem>>
      %dma_start3A_226 = arith.constant 1664 : i32
      %dma_start3A_227 = tpu.memref_slice %arg9[%dma_start3A_226] : memref<3200xi32, #tpu.memory_space<vmem>> -> memref<128xi32, #tpu.memory_space<vmem>>
      %dma_start3A_228 = arith.constant 0 : i32
      %dma_start3A_229 = arith.constant 0 : i32
      %dma_start3A_230 = tpu.memref_slice %arg5[%dma_start3A_228, %dma_start3A_229] : memref<100000x16xf32, #tpu.memory_space<hbm>> -> memref<100000x16xf32, #tpu.memory_space<hbm>>
      tpu.enqueue_indirect_dma source(%dma_start3A_230 : memref<100000x16xf32, #tpu.memory_space<hbm>>) target(%dma_start3A_225 : memref<128x16xf32, #tpu.memory_space<vmem>>) offsets(%dma_start3A_227 : memref<128xi32, #tpu.memory_space<vmem>>) semaphore(%arg13 : memref<!tpu.dma_semaphore, #tpu.memory_space<semaphore_mem>>)
      %dma_start3A_231 = arith.constant 1792 : i32
      %dma_start3A_232 = arith.constant 0 : i32
      %dma_start3A_233 = tpu.memref_slice %arg11[%dma_start3A_231, %dma_start3A_232] : memref<3200x16xf32, #tpu.memory_space<vmem>> -> memref<128x16xf32, #tpu.memory_space<vmem>>
      %dma_start3A_234 = arith.constant 1792 : i32
      %dma_start3A_235 = tpu.memref_slice %arg9[%dma_start3A_234] : memref<3200xi32, #tpu.memory_space<vmem>> -> memref<128xi32, #tpu.memory_space<vmem>>
      %dma_start3A_236 = arith.constant 0 : i32
      %dma_start3A_237 = arith.constant 0 : i32
      %dma_start3A_238 = tpu.memref_slice %arg5[%dma_start3A_236, %dma_start3A_237] : memref<100000x16xf32, #tpu.memory_space<hbm>> -> memref<100000x16xf32, #tpu.memory_space<hbm>>
      tpu.enqueue_indirect_dma source(%dma_start3A_238 : memref<100000x16xf32, #tpu.memory_space<hbm>>) target(%dma_start3A_233 : memref<128x16xf32, #tpu.memory_space<vmem>>) offsets(%dma_start3A_235 : memref<128xi32, #tpu.memory_space<vmem>>) semaphore(%arg13 : memref<!tpu.dma_semaphore, #tpu.memory_space<semaphore_mem>>)
      %dma_start3A_239 = arith.constant 1920 : i32
      %dma_start3A_240 = arith.constant 0 : i32
      %dma_start3A_241 = tpu.memref_slice %arg11[%dma_start3A_239, %dma_start3A_240] : memref<3200x16xf32, #tpu.memory_space<vmem>> -> memref<128x16xf32, #tpu.memory_space<vmem>>
      %dma_start3A_242 = arith.constant 1920 : i32
      %dma_start3A_243 = tpu.memref_slice %arg9[%dma_start3A_242] : memref<3200xi32, #tpu.memory_space<vmem>> -> memref<128xi32, #tpu.memory_space<vmem>>
      %dma_start3A_244 = arith.constant 0 : i32
      %dma_start3A_245 = arith.constant 0 : i32
      %dma_start3A_246 = tpu.memref_slice %arg5[%dma_start3A_244, %dma_start3A_245] : memref<100000x16xf32, #tpu.memory_space<hbm>> -> memref<100000x16xf32, #tpu.memory_space<hbm>>
      tpu.enqueue_indirect_dma source(%dma_start3A_246 : memref<100000x16xf32, #tpu.memory_space<hbm>>) target(%dma_start3A_241 : memref<128x16xf32, #tpu.memory_space<vmem>>) offsets(%dma_start3A_243 : memref<128xi32, #tpu.memory_space<vmem>>) semaphore(%arg13 : memref<!tpu.dma_semaphore, #tpu.memory_space<semaphore_mem>>)
      %dma_start3A_247 = arith.constant 2048 : i32
      %dma_start3A_248 = arith.constant 0 : i32
      %dma_start3A_249 = tpu.memref_slice %arg11[%dma_start3A_247, %dma_start3A_248] : memref<3200x16xf32, #tpu.memory_space<vmem>> -> memref<128x16xf32, #tpu.memory_space<vmem>>
      %dma_start3A_250 = arith.constant 2048 : i32
      %dma_start3A_251 = tpu.memref_slice %arg9[%dma_start3A_250] : memref<3200xi32, #tpu.memory_space<vmem>> -> memref<128xi32, #tpu.memory_space<vmem>>
      %dma_start3A_252 = arith.constant 0 : i32
      %dma_start3A_253 = arith.constant 0 : i32
      %dma_start3A_254 = tpu.memref_slice %arg5[%dma_start3A_252, %dma_start3A_253] : memref<100000x16xf32, #tpu.memory_space<hbm>> -> memref<100000x16xf32, #tpu.memory_space<hbm>>
      tpu.enqueue_indirect_dma source(%dma_start3A_254 : memref<100000x16xf32, #tpu.memory_space<hbm>>) target(%dma_start3A_249 : memref<128x16xf32, #tpu.memory_space<vmem>>) offsets(%dma_start3A_251 : memref<128xi32, #tpu.memory_space<vmem>>) semaphore(%arg13 : memref<!tpu.dma_semaphore, #tpu.memory_space<semaphore_mem>>)
      %dma_start3A_255 = arith.constant 2176 : i32
      %dma_start3A_256 = arith.constant 0 : i32
      %dma_start3A_257 = tpu.memref_slice %arg11[%dma_start3A_255, %dma_start3A_256] : memref<3200x16xf32, #tpu.memory_space<vmem>> -> memref<128x16xf32, #tpu.memory_space<vmem>>
      %dma_start3A_258 = arith.constant 2176 : i32
      %dma_start3A_259 = tpu.memref_slice %arg9[%dma_start3A_258] : memref<3200xi32, #tpu.memory_space<vmem>> -> memref<128xi32, #tpu.memory_space<vmem>>
      %dma_start3A_260 = arith.constant 0 : i32
      %dma_start3A_261 = arith.constant 0 : i32
      %dma_start3A_262 = tpu.memref_slice %arg5[%dma_start3A_260, %dma_start3A_261] : memref<100000x16xf32, #tpu.memory_space<hbm>> -> memref<100000x16xf32, #tpu.memory_space<hbm>>
      tpu.enqueue_indirect_dma source(%dma_start3A_262 : memref<100000x16xf32, #tpu.memory_space<hbm>>) target(%dma_start3A_257 : memref<128x16xf32, #tpu.memory_space<vmem>>) offsets(%dma_start3A_259 : memref<128xi32, #tpu.memory_space<vmem>>) semaphore(%arg13 : memref<!tpu.dma_semaphore, #tpu.memory_space<semaphore_mem>>)
      %dma_start3A_263 = arith.constant 2304 : i32
      %dma_start3A_264 = arith.constant 0 : i32
      %dma_start3A_265 = tpu.memref_slice %arg11[%dma_start3A_263, %dma_start3A_264] : memref<3200x16xf32, #tpu.memory_space<vmem>> -> memref<128x16xf32, #tpu.memory_space<vmem>>
      %dma_start3A_266 = arith.constant 2304 : i32
      %dma_start3A_267 = tpu.memref_slice %arg9[%dma_start3A_266] : memref<3200xi32, #tpu.memory_space<vmem>> -> memref<128xi32, #tpu.memory_space<vmem>>
      %dma_start3A_268 = arith.constant 0 : i32
      %dma_start3A_269 = arith.constant 0 : i32
      %dma_start3A_270 = tpu.memref_slice %arg5[%dma_start3A_268, %dma_start3A_269] : memref<100000x16xf32, #tpu.memory_space<hbm>> -> memref<100000x16xf32, #tpu.memory_space<hbm>>
      tpu.enqueue_indirect_dma source(%dma_start3A_270 : memref<100000x16xf32, #tpu.memory_space<hbm>>) target(%dma_start3A_265 : memref<128x16xf32, #tpu.memory_space<vmem>>) offsets(%dma_start3A_267 : memref<128xi32, #tpu.memory_space<vmem>>) semaphore(%arg13 : memref<!tpu.dma_semaphore, #tpu.memory_space<semaphore_mem>>)
      %dma_start3A_271 = arith.constant 2432 : i32
      %dma_start3A_272 = arith.constant 0 : i32
      %dma_start3A_273 = tpu.memref_slice %arg11[%dma_start3A_271, %dma_start3A_272] : memref<3200x16xf32, #tpu.memory_space<vmem>> -> memref<128x16xf32, #tpu.memory_space<vmem>>
      %dma_start3A_274 = arith.constant 2432 : i32
      %dma_start3A_275 = tpu.memref_slice %arg9[%dma_start3A_274] : memref<3200xi32, #tpu.memory_space<vmem>> -> memref<128xi32, #tpu.memory_space<vmem>>
      %dma_start3A_276 = arith.constant 0 : i32
      %dma_start3A_277 = arith.constant 0 : i32
      %dma_start3A_278 = tpu.memref_slice %arg5[%dma_start3A_276, %dma_start3A_277] : memref<100000x16xf32, #tpu.memory_space<hbm>> -> memref<100000x16xf32, #tpu.memory_space<hbm>>
      tpu.enqueue_indirect_dma source(%dma_start3A_278 : memref<100000x16xf32, #tpu.memory_space<hbm>>) target(%dma_start3A_273 : memref<128x16xf32, #tpu.memory_space<vmem>>) offsets(%dma_start3A_275 : memref<128xi32, #tpu.memory_space<vmem>>) semaphore(%arg13 : memref<!tpu.dma_semaphore, #tpu.memory_space<semaphore_mem>>)
      %dma_start3A_279 = arith.constant 2560 : i32
      %dma_start3A_280 = arith.constant 0 : i32
      %dma_start3A_281 = tpu.memref_slice %arg11[%dma_start3A_279, %dma_start3A_280] : memref<3200x16xf32, #tpu.memory_space<vmem>> -> memref<128x16xf32, #tpu.memory_space<vmem>>
      %dma_start3A_282 = arith.constant 2560 : i32
      %dma_start3A_283 = tpu.memref_slice %arg9[%dma_start3A_282] : memref<3200xi32, #tpu.memory_space<vmem>> -> memref<128xi32, #tpu.memory_space<vmem>>
      %dma_start3A_284 = arith.constant 0 : i32
      %dma_start3A_285 = arith.constant 0 : i32
      %dma_start3A_286 = tpu.memref_slice %arg5[%dma_start3A_284, %dma_start3A_285] : memref<100000x16xf32, #tpu.memory_space<hbm>> -> memref<100000x16xf32, #tpu.memory_space<hbm>>
      tpu.enqueue_indirect_dma source(%dma_start3A_286 : memref<100000x16xf32, #tpu.memory_space<hbm>>) target(%dma_start3A_281 : memref<128x16xf32, #tpu.memory_space<vmem>>) offsets(%dma_start3A_283 : memref<128xi32, #tpu.memory_space<vmem>>) semaphore(%arg13 : memref<!tpu.dma_semaphore, #tpu.memory_space<semaphore_mem>>)
      %dma_start3A_287 = arith.constant 2688 : i32
      %dma_start3A_288 = arith.constant 0 : i32
      %dma_start3A_289 = tpu.memref_slice %arg11[%dma_start3A_287, %dma_start3A_288] : memref<3200x16xf32, #tpu.memory_space<vmem>> -> memref<128x16xf32, #tpu.memory_space<vmem>>
      %dma_start3A_290 = arith.constant 2688 : i32
      %dma_start3A_291 = tpu.memref_slice %arg9[%dma_start3A_290] : memref<3200xi32, #tpu.memory_space<vmem>> -> memref<128xi32, #tpu.memory_space<vmem>>
      %dma_start3A_292 = arith.constant 0 : i32
      %dma_start3A_293 = arith.constant 0 : i32
      %dma_start3A_294 = tpu.memref_slice %arg5[%dma_start3A_292, %dma_start3A_293] : memref<100000x16xf32, #tpu.memory_space<hbm>> -> memref<100000x16xf32, #tpu.memory_space<hbm>>
      tpu.enqueue_indirect_dma source(%dma_start3A_294 : memref<100000x16xf32, #tpu.memory_space<hbm>>) target(%dma_start3A_289 : memref<128x16xf32, #tpu.memory_space<vmem>>) offsets(%dma_start3A_291 : memref<128xi32, #tpu.memory_space<vmem>>) semaphore(%arg13 : memref<!tpu.dma_semaphore, #tpu.memory_space<semaphore_mem>>)
      %dma_start3A_295 = arith.constant 2816 : i32
      %dma_start3A_296 = arith.constant 0 : i32
      %dma_start3A_297 = tpu.memref_slice %arg11[%dma_start3A_295, %dma_start3A_296] : memref<3200x16xf32, #tpu.memory_space<vmem>> -> memref<128x16xf32, #tpu.memory_space<vmem>>
      %dma_start3A_298 = arith.constant 2816 : i32
      %dma_start3A_299 = tpu.memref_slice %arg9[%dma_start3A_298] : memref<3200xi32, #tpu.memory_space<vmem>> -> memref<128xi32, #tpu.memory_space<vmem>>
      %dma_start3A_300 = arith.constant 0 : i32
      %dma_start3A_301 = arith.constant 0 : i32
      %dma_start3A_302 = tpu.memref_slice %arg5[%dma_start3A_300, %dma_start3A_301] : memref<100000x16xf32, #tpu.memory_space<hbm>> -> memref<100000x16xf32, #tpu.memory_space<hbm>>
      tpu.enqueue_indirect_dma source(%dma_start3A_302 : memref<100000x16xf32, #tpu.memory_space<hbm>>) target(%dma_start3A_297 : memref<128x16xf32, #tpu.memory_space<vmem>>) offsets(%dma_start3A_299 : memref<128xi32, #tpu.memory_space<vmem>>) semaphore(%arg13 : memref<!tpu.dma_semaphore, #tpu.memory_space<semaphore_mem>>)
      %dma_start3A_303 = arith.constant 2944 : i32
      %dma_start3A_304 = arith.constant 0 : i32
      %dma_start3A_305 = tpu.memref_slice %arg11[%dma_start3A_303, %dma_start3A_304] : memref<3200x16xf32, #tpu.memory_space<vmem>> -> memref<128x16xf32, #tpu.memory_space<vmem>>
      %dma_start3A_306 = arith.constant 2944 : i32
      %dma_start3A_307 = tpu.memref_slice %arg9[%dma_start3A_306] : memref<3200xi32, #tpu.memory_space<vmem>> -> memref<128xi32, #tpu.memory_space<vmem>>
      %dma_start3A_308 = arith.constant 0 : i32
      %dma_start3A_309 = arith.constant 0 : i32
      %dma_start3A_310 = tpu.memref_slice %arg5[%dma_start3A_308, %dma_start3A_309] : memref<100000x16xf32, #tpu.memory_space<hbm>> -> memref<100000x16xf32, #tpu.memory_space<hbm>>
      tpu.enqueue_indirect_dma source(%dma_start3A_310 : memref<100000x16xf32, #tpu.memory_space<hbm>>) target(%dma_start3A_305 : memref<128x16xf32, #tpu.memory_space<vmem>>) offsets(%dma_start3A_307 : memref<128xi32, #tpu.memory_space<vmem>>) semaphore(%arg13 : memref<!tpu.dma_semaphore, #tpu.memory_space<semaphore_mem>>)
      %dma_start3A_311 = arith.constant 3072 : i32
      %dma_start3A_312 = arith.constant 0 : i32
      %dma_start3A_313 = tpu.memref_slice %arg11[%dma_start3A_311, %dma_start3A_312] : memref<3200x16xf32, #tpu.memory_space<vmem>> -> memref<128x16xf32, #tpu.memory_space<vmem>>
      %dma_start3A_314 = arith.constant 3072 : i32
      %dma_start3A_315 = tpu.memref_slice %arg9[%dma_start3A_314] : memref<3200xi32, #tpu.memory_space<vmem>> -> memref<128xi32, #tpu.memory_space<vmem>>
      %dma_start3A_316 = arith.constant 0 : i32
      %dma_start3A_317 = arith.constant 0 : i32
      %dma_start3A_318 = tpu.memref_slice %arg5[%dma_start3A_316, %dma_start3A_317] : memref<100000x16xf32, #tpu.memory_space<hbm>> -> memref<100000x16xf32, #tpu.memory_space<hbm>>
      tpu.enqueue_indirect_dma source(%dma_start3A_318 : memref<100000x16xf32, #tpu.memory_space<hbm>>) target(%dma_start3A_313 : memref<128x16xf32, #tpu.memory_space<vmem>>) offsets(%dma_start3A_315 : memref<128xi32, #tpu.memory_space<vmem>>) semaphore(%arg13 : memref<!tpu.dma_semaphore, #tpu.memory_space<semaphore_mem>>)
      %dma_wait3A = arith.constant 0 : i32
      %dma_wait3A_319 = arith.constant 0 : i32
      %dma_wait3A_320 = tpu.memref_slice %arg10[%dma_wait3A, %dma_wait3A_319] : memref<1664x16xf32, #tpu.memory_space<vmem>> -> memref<128x16xf32, #tpu.memory_space<vmem>>
      %dma_wait3A_321 = arith.constant 0 : i32
      %dma_wait3A_322 = tpu.memref_slice %arg8[%dma_wait3A_321] : memref<1664xi32, #tpu.memory_space<vmem>> -> memref<128xi32, #tpu.memory_space<vmem>>
      %dma_wait3A_323 = arith.constant 0 : i32
      %dma_wait3A_324 = arith.constant 0 : i32
      %dma_wait3A_325 = tpu.memref_slice %arg4[%dma_wait3A_323, %dma_wait3A_324] : memref<2600000x16xf32, #tpu.memory_space<hbm>> -> memref<2600000x16xf32, #tpu.memory_space<hbm>>
      tpu.wait_indirect_dma semaphore(%arg13 : memref<!tpu.dma_semaphore, #tpu.memory_space<semaphore_mem>>) src(%dma_wait3A_325 : memref<2600000x16xf32, #tpu.memory_space<hbm>>) dst(%dma_wait3A_320 : memref<128x16xf32, #tpu.memory_space<vmem>>)
      %dma_wait3A_326 = arith.constant 128 : i32
      %dma_wait3A_327 = arith.constant 0 : i32
      %dma_wait3A_328 = tpu.memref_slice %arg10[%dma_wait3A_326, %dma_wait3A_327] : memref<1664x16xf32, #tpu.memory_space<vmem>> -> memref<128x16xf32, #tpu.memory_space<vmem>>
      %dma_wait3A_329 = arith.constant 128 : i32
      %dma_wait3A_330 = tpu.memref_slice %arg8[%dma_wait3A_329] : memref<1664xi32, #tpu.memory_space<vmem>> -> memref<128xi32, #tpu.memory_space<vmem>>
      %dma_wait3A_331 = arith.constant 0 : i32
      %dma_wait3A_332 = arith.constant 0 : i32
      %dma_wait3A_333 = tpu.memref_slice %arg4[%dma_wait3A_331, %dma_wait3A_332] : memref<2600000x16xf32, #tpu.memory_space<hbm>> -> memref<2600000x16xf32, #tpu.memory_space<hbm>>
      tpu.wait_indirect_dma semaphore(%arg13 : memref<!tpu.dma_semaphore, #tpu.memory_space<semaphore_mem>>) src(%dma_wait3A_333 : memref<2600000x16xf32, #tpu.memory_space<hbm>>) dst(%dma_wait3A_328 : memref<128x16xf32, #tpu.memory_space<vmem>>)
      %dma_wait3A_334 = arith.constant 256 : i32
      %dma_wait3A_335 = arith.constant 0 : i32
      %dma_wait3A_336 = tpu.memref_slice %arg10[%dma_wait3A_334, %dma_wait3A_335] : memref<1664x16xf32, #tpu.memory_space<vmem>> -> memref<128x16xf32, #tpu.memory_space<vmem>>
      %dma_wait3A_337 = arith.constant 256 : i32
      %dma_wait3A_338 = tpu.memref_slice %arg8[%dma_wait3A_337] : memref<1664xi32, #tpu.memory_space<vmem>> -> memref<128xi32, #tpu.memory_space<vmem>>
      %dma_wait3A_339 = arith.constant 0 : i32
      %dma_wait3A_340 = arith.constant 0 : i32
      %dma_wait3A_341 = tpu.memref_slice %arg4[%dma_wait3A_339, %dma_wait3A_340] : memref<2600000x16xf32, #tpu.memory_space<hbm>> -> memref<2600000x16xf32, #tpu.memory_space<hbm>>
      tpu.wait_indirect_dma semaphore(%arg13 : memref<!tpu.dma_semaphore, #tpu.memory_space<semaphore_mem>>) src(%dma_wait3A_341 : memref<2600000x16xf32, #tpu.memory_space<hbm>>) dst(%dma_wait3A_336 : memref<128x16xf32, #tpu.memory_space<vmem>>)
      %dma_wait3A_342 = arith.constant 384 : i32
      %dma_wait3A_343 = arith.constant 0 : i32
      %dma_wait3A_344 = tpu.memref_slice %arg10[%dma_wait3A_342, %dma_wait3A_343] : memref<1664x16xf32, #tpu.memory_space<vmem>> -> memref<128x16xf32, #tpu.memory_space<vmem>>
      %dma_wait3A_345 = arith.constant 384 : i32
      %dma_wait3A_346 = tpu.memref_slice %arg8[%dma_wait3A_345] : memref<1664xi32, #tpu.memory_space<vmem>> -> memref<128xi32, #tpu.memory_space<vmem>>
      %dma_wait3A_347 = arith.constant 0 : i32
      %dma_wait3A_348 = arith.constant 0 : i32
      %dma_wait3A_349 = tpu.memref_slice %arg4[%dma_wait3A_347, %dma_wait3A_348] : memref<2600000x16xf32, #tpu.memory_space<hbm>> -> memref<2600000x16xf32, #tpu.memory_space<hbm>>
      tpu.wait_indirect_dma semaphore(%arg13 : memref<!tpu.dma_semaphore, #tpu.memory_space<semaphore_mem>>) src(%dma_wait3A_349 : memref<2600000x16xf32, #tpu.memory_space<hbm>>) dst(%dma_wait3A_344 : memref<128x16xf32, #tpu.memory_space<vmem>>)
      %dma_wait3A_350 = arith.constant 512 : i32
      %dma_wait3A_351 = arith.constant 0 : i32
      %dma_wait3A_352 = tpu.memref_slice %arg10[%dma_wait3A_350, %dma_wait3A_351] : memref<1664x16xf32, #tpu.memory_space<vmem>> -> memref<128x16xf32, #tpu.memory_space<vmem>>
      %dma_wait3A_353 = arith.constant 512 : i32
      %dma_wait3A_354 = tpu.memref_slice %arg8[%dma_wait3A_353] : memref<1664xi32, #tpu.memory_space<vmem>> -> memref<128xi32, #tpu.memory_space<vmem>>
      %dma_wait3A_355 = arith.constant 0 : i32
      %dma_wait3A_356 = arith.constant 0 : i32
      %dma_wait3A_357 = tpu.memref_slice %arg4[%dma_wait3A_355, %dma_wait3A_356] : memref<2600000x16xf32, #tpu.memory_space<hbm>> -> memref<2600000x16xf32, #tpu.memory_space<hbm>>
      tpu.wait_indirect_dma semaphore(%arg13 : memref<!tpu.dma_semaphore, #tpu.memory_space<semaphore_mem>>) src(%dma_wait3A_357 : memref<2600000x16xf32, #tpu.memory_space<hbm>>) dst(%dma_wait3A_352 : memref<128x16xf32, #tpu.memory_space<vmem>>)
      %dma_wait3A_358 = arith.constant 640 : i32
      %dma_wait3A_359 = arith.constant 0 : i32
      %dma_wait3A_360 = tpu.memref_slice %arg10[%dma_wait3A_358, %dma_wait3A_359] : memref<1664x16xf32, #tpu.memory_space<vmem>> -> memref<128x16xf32, #tpu.memory_space<vmem>>
      %dma_wait3A_361 = arith.constant 640 : i32
      %dma_wait3A_362 = tpu.memref_slice %arg8[%dma_wait3A_361] : memref<1664xi32, #tpu.memory_space<vmem>> -> memref<128xi32, #tpu.memory_space<vmem>>
      %dma_wait3A_363 = arith.constant 0 : i32
      %dma_wait3A_364 = arith.constant 0 : i32
      %dma_wait3A_365 = tpu.memref_slice %arg4[%dma_wait3A_363, %dma_wait3A_364] : memref<2600000x16xf32, #tpu.memory_space<hbm>> -> memref<2600000x16xf32, #tpu.memory_space<hbm>>
      tpu.wait_indirect_dma semaphore(%arg13 : memref<!tpu.dma_semaphore, #tpu.memory_space<semaphore_mem>>) src(%dma_wait3A_365 : memref<2600000x16xf32, #tpu.memory_space<hbm>>) dst(%dma_wait3A_360 : memref<128x16xf32, #tpu.memory_space<vmem>>)
      %dma_wait3A_366 = arith.constant 768 : i32
      %dma_wait3A_367 = arith.constant 0 : i32
      %dma_wait3A_368 = tpu.memref_slice %arg10[%dma_wait3A_366, %dma_wait3A_367] : memref<1664x16xf32, #tpu.memory_space<vmem>> -> memref<128x16xf32, #tpu.memory_space<vmem>>
      %dma_wait3A_369 = arith.constant 768 : i32
      %dma_wait3A_370 = tpu.memref_slice %arg8[%dma_wait3A_369] : memref<1664xi32, #tpu.memory_space<vmem>> -> memref<128xi32, #tpu.memory_space<vmem>>
      %dma_wait3A_371 = arith.constant 0 : i32
      %dma_wait3A_372 = arith.constant 0 : i32
      %dma_wait3A_373 = tpu.memref_slice %arg4[%dma_wait3A_371, %dma_wait3A_372] : memref<2600000x16xf32, #tpu.memory_space<hbm>> -> memref<2600000x16xf32, #tpu.memory_space<hbm>>
      tpu.wait_indirect_dma semaphore(%arg13 : memref<!tpu.dma_semaphore, #tpu.memory_space<semaphore_mem>>) src(%dma_wait3A_373 : memref<2600000x16xf32, #tpu.memory_space<hbm>>) dst(%dma_wait3A_368 : memref<128x16xf32, #tpu.memory_space<vmem>>)
      %dma_wait3A_374 = arith.constant 896 : i32
      %dma_wait3A_375 = arith.constant 0 : i32
      %dma_wait3A_376 = tpu.memref_slice %arg10[%dma_wait3A_374, %dma_wait3A_375] : memref<1664x16xf32, #tpu.memory_space<vmem>> -> memref<128x16xf32, #tpu.memory_space<vmem>>
      %dma_wait3A_377 = arith.constant 896 : i32
      %dma_wait3A_378 = tpu.memref_slice %arg8[%dma_wait3A_377] : memref<1664xi32, #tpu.memory_space<vmem>> -> memref<128xi32, #tpu.memory_space<vmem>>
      %dma_wait3A_379 = arith.constant 0 : i32
      %dma_wait3A_380 = arith.constant 0 : i32
      %dma_wait3A_381 = tpu.memref_slice %arg4[%dma_wait3A_379, %dma_wait3A_380] : memref<2600000x16xf32, #tpu.memory_space<hbm>> -> memref<2600000x16xf32, #tpu.memory_space<hbm>>
      tpu.wait_indirect_dma semaphore(%arg13 : memref<!tpu.dma_semaphore, #tpu.memory_space<semaphore_mem>>) src(%dma_wait3A_381 : memref<2600000x16xf32, #tpu.memory_space<hbm>>) dst(%dma_wait3A_376 : memref<128x16xf32, #tpu.memory_space<vmem>>)
      %dma_wait3A_382 = arith.constant 1024 : i32
      %dma_wait3A_383 = arith.constant 0 : i32
      %dma_wait3A_384 = tpu.memref_slice %arg10[%dma_wait3A_382, %dma_wait3A_383] : memref<1664x16xf32, #tpu.memory_space<vmem>> -> memref<128x16xf32, #tpu.memory_space<vmem>>
      %dma_wait3A_385 = arith.constant 1024 : i32
      %dma_wait3A_386 = tpu.memref_slice %arg8[%dma_wait3A_385] : memref<1664xi32, #tpu.memory_space<vmem>> -> memref<128xi32, #tpu.memory_space<vmem>>
      %dma_wait3A_387 = arith.constant 0 : i32
      %dma_wait3A_388 = arith.constant 0 : i32
      %dma_wait3A_389 = tpu.memref_slice %arg4[%dma_wait3A_387, %dma_wait3A_388] : memref<2600000x16xf32, #tpu.memory_space<hbm>> -> memref<2600000x16xf32, #tpu.memory_space<hbm>>
      tpu.wait_indirect_dma semaphore(%arg13 : memref<!tpu.dma_semaphore, #tpu.memory_space<semaphore_mem>>) src(%dma_wait3A_389 : memref<2600000x16xf32, #tpu.memory_space<hbm>>) dst(%dma_wait3A_384 : memref<128x16xf32, #tpu.memory_space<vmem>>)
      %dma_wait3A_390 = arith.constant 1152 : i32
      %dma_wait3A_391 = arith.constant 0 : i32
      %dma_wait3A_392 = tpu.memref_slice %arg10[%dma_wait3A_390, %dma_wait3A_391] : memref<1664x16xf32, #tpu.memory_space<vmem>> -> memref<128x16xf32, #tpu.memory_space<vmem>>
      %dma_wait3A_393 = arith.constant 1152 : i32
      %dma_wait3A_394 = tpu.memref_slice %arg8[%dma_wait3A_393] : memref<1664xi32, #tpu.memory_space<vmem>> -> memref<128xi32, #tpu.memory_space<vmem>>
      %dma_wait3A_395 = arith.constant 0 : i32
      %dma_wait3A_396 = arith.constant 0 : i32
      %dma_wait3A_397 = tpu.memref_slice %arg4[%dma_wait3A_395, %dma_wait3A_396] : memref<2600000x16xf32, #tpu.memory_space<hbm>> -> memref<2600000x16xf32, #tpu.memory_space<hbm>>
      tpu.wait_indirect_dma semaphore(%arg13 : memref<!tpu.dma_semaphore, #tpu.memory_space<semaphore_mem>>) src(%dma_wait3A_397 : memref<2600000x16xf32, #tpu.memory_space<hbm>>) dst(%dma_wait3A_392 : memref<128x16xf32, #tpu.memory_space<vmem>>)
      %dma_wait3A_398 = arith.constant 1280 : i32
      %dma_wait3A_399 = arith.constant 0 : i32
      %dma_wait3A_400 = tpu.memref_slice %arg10[%dma_wait3A_398, %dma_wait3A_399] : memref<1664x16xf32, #tpu.memory_space<vmem>> -> memref<128x16xf32, #tpu.memory_space<vmem>>
      %dma_wait3A_401 = arith.constant 1280 : i32
      %dma_wait3A_402 = tpu.memref_slice %arg8[%dma_wait3A_401] : memref<1664xi32, #tpu.memory_space<vmem>> -> memref<128xi32, #tpu.memory_space<vmem>>
      %dma_wait3A_403 = arith.constant 0 : i32
      %dma_wait3A_404 = arith.constant 0 : i32
      %dma_wait3A_405 = tpu.memref_slice %arg4[%dma_wait3A_403, %dma_wait3A_404] : memref<2600000x16xf32, #tpu.memory_space<hbm>> -> memref<2600000x16xf32, #tpu.memory_space<hbm>>
      tpu.wait_indirect_dma semaphore(%arg13 : memref<!tpu.dma_semaphore, #tpu.memory_space<semaphore_mem>>) src(%dma_wait3A_405 : memref<2600000x16xf32, #tpu.memory_space<hbm>>) dst(%dma_wait3A_400 : memref<128x16xf32, #tpu.memory_space<vmem>>)
      %dma_wait3A_406 = arith.constant 1408 : i32
      %dma_wait3A_407 = arith.constant 0 : i32
      %dma_wait3A_408 = tpu.memref_slice %arg10[%dma_wait3A_406, %dma_wait3A_407] : memref<1664x16xf32, #tpu.memory_space<vmem>> -> memref<128x16xf32, #tpu.memory_space<vmem>>
      %dma_wait3A_409 = arith.constant 1408 : i32
      %dma_wait3A_410 = tpu.memref_slice %arg8[%dma_wait3A_409] : memref<1664xi32, #tpu.memory_space<vmem>> -> memref<128xi32, #tpu.memory_space<vmem>>
      %dma_wait3A_411 = arith.constant 0 : i32
      %dma_wait3A_412 = arith.constant 0 : i32
      %dma_wait3A_413 = tpu.memref_slice %arg4[%dma_wait3A_411, %dma_wait3A_412] : memref<2600000x16xf32, #tpu.memory_space<hbm>> -> memref<2600000x16xf32, #tpu.memory_space<hbm>>
      tpu.wait_indirect_dma semaphore(%arg13 : memref<!tpu.dma_semaphore, #tpu.memory_space<semaphore_mem>>) src(%dma_wait3A_413 : memref<2600000x16xf32, #tpu.memory_space<hbm>>) dst(%dma_wait3A_408 : memref<128x16xf32, #tpu.memory_space<vmem>>)
      %dma_wait3A_414 = arith.constant 1536 : i32
      %dma_wait3A_415 = arith.constant 0 : i32
      %dma_wait3A_416 = tpu.memref_slice %arg10[%dma_wait3A_414, %dma_wait3A_415] : memref<1664x16xf32, #tpu.memory_space<vmem>> -> memref<128x16xf32, #tpu.memory_space<vmem>>
      %dma_wait3A_417 = arith.constant 1536 : i32
      %dma_wait3A_418 = tpu.memref_slice %arg8[%dma_wait3A_417] : memref<1664xi32, #tpu.memory_space<vmem>> -> memref<128xi32, #tpu.memory_space<vmem>>
      %dma_wait3A_419 = arith.constant 0 : i32
      %dma_wait3A_420 = arith.constant 0 : i32
      %dma_wait3A_421 = tpu.memref_slice %arg4[%dma_wait3A_419, %dma_wait3A_420] : memref<2600000x16xf32, #tpu.memory_space<hbm>> -> memref<2600000x16xf32, #tpu.memory_space<hbm>>
      tpu.wait_indirect_dma semaphore(%arg13 : memref<!tpu.dma_semaphore, #tpu.memory_space<semaphore_mem>>) src(%dma_wait3A_421 : memref<2600000x16xf32, #tpu.memory_space<hbm>>) dst(%dma_wait3A_416 : memref<128x16xf32, #tpu.memory_space<vmem>>)
      %dma_wait3A_422 = arith.constant 0 : i32
      %dma_wait3A_423 = arith.constant 0 : i32
      %dma_wait3A_424 = tpu.memref_slice %arg11[%dma_wait3A_422, %dma_wait3A_423] : memref<3200x16xf32, #tpu.memory_space<vmem>> -> memref<128x16xf32, #tpu.memory_space<vmem>>
      %dma_wait3A_425 = arith.constant 0 : i32
      %dma_wait3A_426 = tpu.memref_slice %arg9[%dma_wait3A_425] : memref<3200xi32, #tpu.memory_space<vmem>> -> memref<128xi32, #tpu.memory_space<vmem>>
      %dma_wait3A_427 = arith.constant 0 : i32
      %dma_wait3A_428 = arith.constant 0 : i32
      %dma_wait3A_429 = tpu.memref_slice %arg5[%dma_wait3A_427, %dma_wait3A_428] : memref<100000x16xf32, #tpu.memory_space<hbm>> -> memref<100000x16xf32, #tpu.memory_space<hbm>>
      tpu.wait_indirect_dma semaphore(%arg13 : memref<!tpu.dma_semaphore, #tpu.memory_space<semaphore_mem>>) src(%dma_wait3A_429 : memref<100000x16xf32, #tpu.memory_space<hbm>>) dst(%dma_wait3A_424 : memref<128x16xf32, #tpu.memory_space<vmem>>)
      %dma_wait3A_430 = arith.constant 128 : i32
      %dma_wait3A_431 = arith.constant 0 : i32
      %dma_wait3A_432 = tpu.memref_slice %arg11[%dma_wait3A_430, %dma_wait3A_431] : memref<3200x16xf32, #tpu.memory_space<vmem>> -> memref<128x16xf32, #tpu.memory_space<vmem>>
      %dma_wait3A_433 = arith.constant 128 : i32
      %dma_wait3A_434 = tpu.memref_slice %arg9[%dma_wait3A_433] : memref<3200xi32, #tpu.memory_space<vmem>> -> memref<128xi32, #tpu.memory_space<vmem>>
      %dma_wait3A_435 = arith.constant 0 : i32
      %dma_wait3A_436 = arith.constant 0 : i32
      %dma_wait3A_437 = tpu.memref_slice %arg5[%dma_wait3A_435, %dma_wait3A_436] : memref<100000x16xf32, #tpu.memory_space<hbm>> -> memref<100000x16xf32, #tpu.memory_space<hbm>>
      tpu.wait_indirect_dma semaphore(%arg13 : memref<!tpu.dma_semaphore, #tpu.memory_space<semaphore_mem>>) src(%dma_wait3A_437 : memref<100000x16xf32, #tpu.memory_space<hbm>>) dst(%dma_wait3A_432 : memref<128x16xf32, #tpu.memory_space<vmem>>)
      %dma_wait3A_438 = arith.constant 256 : i32
      %dma_wait3A_439 = arith.constant 0 : i32
      %dma_wait3A_440 = tpu.memref_slice %arg11[%dma_wait3A_438, %dma_wait3A_439] : memref<3200x16xf32, #tpu.memory_space<vmem>> -> memref<128x16xf32, #tpu.memory_space<vmem>>
      %dma_wait3A_441 = arith.constant 256 : i32
      %dma_wait3A_442 = tpu.memref_slice %arg9[%dma_wait3A_441] : memref<3200xi32, #tpu.memory_space<vmem>> -> memref<128xi32, #tpu.memory_space<vmem>>
      %dma_wait3A_443 = arith.constant 0 : i32
      %dma_wait3A_444 = arith.constant 0 : i32
      %dma_wait3A_445 = tpu.memref_slice %arg5[%dma_wait3A_443, %dma_wait3A_444] : memref<100000x16xf32, #tpu.memory_space<hbm>> -> memref<100000x16xf32, #tpu.memory_space<hbm>>
      tpu.wait_indirect_dma semaphore(%arg13 : memref<!tpu.dma_semaphore, #tpu.memory_space<semaphore_mem>>) src(%dma_wait3A_445 : memref<100000x16xf32, #tpu.memory_space<hbm>>) dst(%dma_wait3A_440 : memref<128x16xf32, #tpu.memory_space<vmem>>)
      %dma_wait3A_446 = arith.constant 384 : i32
      %dma_wait3A_447 = arith.constant 0 : i32
      %dma_wait3A_448 = tpu.memref_slice %arg11[%dma_wait3A_446, %dma_wait3A_447] : memref<3200x16xf32, #tpu.memory_space<vmem>> -> memref<128x16xf32, #tpu.memory_space<vmem>>
      %dma_wait3A_449 = arith.constant 384 : i32
      %dma_wait3A_450 = tpu.memref_slice %arg9[%dma_wait3A_449] : memref<3200xi32, #tpu.memory_space<vmem>> -> memref<128xi32, #tpu.memory_space<vmem>>
      %dma_wait3A_451 = arith.constant 0 : i32
      %dma_wait3A_452 = arith.constant 0 : i32
      %dma_wait3A_453 = tpu.memref_slice %arg5[%dma_wait3A_451, %dma_wait3A_452] : memref<100000x16xf32, #tpu.memory_space<hbm>> -> memref<100000x16xf32, #tpu.memory_space<hbm>>
      tpu.wait_indirect_dma semaphore(%arg13 : memref<!tpu.dma_semaphore, #tpu.memory_space<semaphore_mem>>) src(%dma_wait3A_453 : memref<100000x16xf32, #tpu.memory_space<hbm>>) dst(%dma_wait3A_448 : memref<128x16xf32, #tpu.memory_space<vmem>>)
      %dma_wait3A_454 = arith.constant 512 : i32
      %dma_wait3A_455 = arith.constant 0 : i32
      %dma_wait3A_456 = tpu.memref_slice %arg11[%dma_wait3A_454, %dma_wait3A_455] : memref<3200x16xf32, #tpu.memory_space<vmem>> -> memref<128x16xf32, #tpu.memory_space<vmem>>
      %dma_wait3A_457 = arith.constant 512 : i32
      %dma_wait3A_458 = tpu.memref_slice %arg9[%dma_wait3A_457] : memref<3200xi32, #tpu.memory_space<vmem>> -> memref<128xi32, #tpu.memory_space<vmem>>
      %dma_wait3A_459 = arith.constant 0 : i32
      %dma_wait3A_460 = arith.constant 0 : i32
      %dma_wait3A_461 = tpu.memref_slice %arg5[%dma_wait3A_459, %dma_wait3A_460] : memref<100000x16xf32, #tpu.memory_space<hbm>> -> memref<100000x16xf32, #tpu.memory_space<hbm>>
      tpu.wait_indirect_dma semaphore(%arg13 : memref<!tpu.dma_semaphore, #tpu.memory_space<semaphore_mem>>) src(%dma_wait3A_461 : memref<100000x16xf32, #tpu.memory_space<hbm>>) dst(%dma_wait3A_456 : memref<128x16xf32, #tpu.memory_space<vmem>>)
      %dma_wait3A_462 = arith.constant 640 : i32
      %dma_wait3A_463 = arith.constant 0 : i32
      %dma_wait3A_464 = tpu.memref_slice %arg11[%dma_wait3A_462, %dma_wait3A_463] : memref<3200x16xf32, #tpu.memory_space<vmem>> -> memref<128x16xf32, #tpu.memory_space<vmem>>
      %dma_wait3A_465 = arith.constant 640 : i32
      %dma_wait3A_466 = tpu.memref_slice %arg9[%dma_wait3A_465] : memref<3200xi32, #tpu.memory_space<vmem>> -> memref<128xi32, #tpu.memory_space<vmem>>
      %dma_wait3A_467 = arith.constant 0 : i32
      %dma_wait3A_468 = arith.constant 0 : i32
      %dma_wait3A_469 = tpu.memref_slice %arg5[%dma_wait3A_467, %dma_wait3A_468] : memref<100000x16xf32, #tpu.memory_space<hbm>> -> memref<100000x16xf32, #tpu.memory_space<hbm>>
      tpu.wait_indirect_dma semaphore(%arg13 : memref<!tpu.dma_semaphore, #tpu.memory_space<semaphore_mem>>) src(%dma_wait3A_469 : memref<100000x16xf32, #tpu.memory_space<hbm>>) dst(%dma_wait3A_464 : memref<128x16xf32, #tpu.memory_space<vmem>>)
      %dma_wait3A_470 = arith.constant 768 : i32
      %dma_wait3A_471 = arith.constant 0 : i32
      %dma_wait3A_472 = tpu.memref_slice %arg11[%dma_wait3A_470, %dma_wait3A_471] : memref<3200x16xf32, #tpu.memory_space<vmem>> -> memref<128x16xf32, #tpu.memory_space<vmem>>
      %dma_wait3A_473 = arith.constant 768 : i32
      %dma_wait3A_474 = tpu.memref_slice %arg9[%dma_wait3A_473] : memref<3200xi32, #tpu.memory_space<vmem>> -> memref<128xi32, #tpu.memory_space<vmem>>
      %dma_wait3A_475 = arith.constant 0 : i32
      %dma_wait3A_476 = arith.constant 0 : i32
      %dma_wait3A_477 = tpu.memref_slice %arg5[%dma_wait3A_475, %dma_wait3A_476] : memref<100000x16xf32, #tpu.memory_space<hbm>> -> memref<100000x16xf32, #tpu.memory_space<hbm>>
      tpu.wait_indirect_dma semaphore(%arg13 : memref<!tpu.dma_semaphore, #tpu.memory_space<semaphore_mem>>) src(%dma_wait3A_477 : memref<100000x16xf32, #tpu.memory_space<hbm>>) dst(%dma_wait3A_472 : memref<128x16xf32, #tpu.memory_space<vmem>>)
      %dma_wait3A_478 = arith.constant 896 : i32
      %dma_wait3A_479 = arith.constant 0 : i32
      %dma_wait3A_480 = tpu.memref_slice %arg11[%dma_wait3A_478, %dma_wait3A_479] : memref<3200x16xf32, #tpu.memory_space<vmem>> -> memref<128x16xf32, #tpu.memory_space<vmem>>
      %dma_wait3A_481 = arith.constant 896 : i32
      %dma_wait3A_482 = tpu.memref_slice %arg9[%dma_wait3A_481] : memref<3200xi32, #tpu.memory_space<vmem>> -> memref<128xi32, #tpu.memory_space<vmem>>
      %dma_wait3A_483 = arith.constant 0 : i32
      %dma_wait3A_484 = arith.constant 0 : i32
      %dma_wait3A_485 = tpu.memref_slice %arg5[%dma_wait3A_483, %dma_wait3A_484] : memref<100000x16xf32, #tpu.memory_space<hbm>> -> memref<100000x16xf32, #tpu.memory_space<hbm>>
      tpu.wait_indirect_dma semaphore(%arg13 : memref<!tpu.dma_semaphore, #tpu.memory_space<semaphore_mem>>) src(%dma_wait3A_485 : memref<100000x16xf32, #tpu.memory_space<hbm>>) dst(%dma_wait3A_480 : memref<128x16xf32, #tpu.memory_space<vmem>>)
      %dma_wait3A_486 = arith.constant 1024 : i32
      %dma_wait3A_487 = arith.constant 0 : i32
      %dma_wait3A_488 = tpu.memref_slice %arg11[%dma_wait3A_486, %dma_wait3A_487] : memref<3200x16xf32, #tpu.memory_space<vmem>> -> memref<128x16xf32, #tpu.memory_space<vmem>>
      %dma_wait3A_489 = arith.constant 1024 : i32
      %dma_wait3A_490 = tpu.memref_slice %arg9[%dma_wait3A_489] : memref<3200xi32, #tpu.memory_space<vmem>> -> memref<128xi32, #tpu.memory_space<vmem>>
      %dma_wait3A_491 = arith.constant 0 : i32
      %dma_wait3A_492 = arith.constant 0 : i32
      %dma_wait3A_493 = tpu.memref_slice %arg5[%dma_wait3A_491, %dma_wait3A_492] : memref<100000x16xf32, #tpu.memory_space<hbm>> -> memref<100000x16xf32, #tpu.memory_space<hbm>>
      tpu.wait_indirect_dma semaphore(%arg13 : memref<!tpu.dma_semaphore, #tpu.memory_space<semaphore_mem>>) src(%dma_wait3A_493 : memref<100000x16xf32, #tpu.memory_space<hbm>>) dst(%dma_wait3A_488 : memref<128x16xf32, #tpu.memory_space<vmem>>)
      %dma_wait3A_494 = arith.constant 1152 : i32
      %dma_wait3A_495 = arith.constant 0 : i32
      %dma_wait3A_496 = tpu.memref_slice %arg11[%dma_wait3A_494, %dma_wait3A_495] : memref<3200x16xf32, #tpu.memory_space<vmem>> -> memref<128x16xf32, #tpu.memory_space<vmem>>
      %dma_wait3A_497 = arith.constant 1152 : i32
      %dma_wait3A_498 = tpu.memref_slice %arg9[%dma_wait3A_497] : memref<3200xi32, #tpu.memory_space<vmem>> -> memref<128xi32, #tpu.memory_space<vmem>>
      %dma_wait3A_499 = arith.constant 0 : i32
      %dma_wait3A_500 = arith.constant 0 : i32
      %dma_wait3A_501 = tpu.memref_slice %arg5[%dma_wait3A_499, %dma_wait3A_500] : memref<100000x16xf32, #tpu.memory_space<hbm>> -> memref<100000x16xf32, #tpu.memory_space<hbm>>
      tpu.wait_indirect_dma semaphore(%arg13 : memref<!tpu.dma_semaphore, #tpu.memory_space<semaphore_mem>>) src(%dma_wait3A_501 : memref<100000x16xf32, #tpu.memory_space<hbm>>) dst(%dma_wait3A_496 : memref<128x16xf32, #tpu.memory_space<vmem>>)
      %dma_wait3A_502 = arith.constant 1280 : i32
      %dma_wait3A_503 = arith.constant 0 : i32
      %dma_wait3A_504 = tpu.memref_slice %arg11[%dma_wait3A_502, %dma_wait3A_503] : memref<3200x16xf32, #tpu.memory_space<vmem>> -> memref<128x16xf32, #tpu.memory_space<vmem>>
      %dma_wait3A_505 = arith.constant 1280 : i32
      %dma_wait3A_506 = tpu.memref_slice %arg9[%dma_wait3A_505] : memref<3200xi32, #tpu.memory_space<vmem>> -> memref<128xi32, #tpu.memory_space<vmem>>
      %dma_wait3A_507 = arith.constant 0 : i32
      %dma_wait3A_508 = arith.constant 0 : i32
      %dma_wait3A_509 = tpu.memref_slice %arg5[%dma_wait3A_507, %dma_wait3A_508] : memref<100000x16xf32, #tpu.memory_space<hbm>> -> memref<100000x16xf32, #tpu.memory_space<hbm>>
      tpu.wait_indirect_dma semaphore(%arg13 : memref<!tpu.dma_semaphore, #tpu.memory_space<semaphore_mem>>) src(%dma_wait3A_509 : memref<100000x16xf32, #tpu.memory_space<hbm>>) dst(%dma_wait3A_504 : memref<128x16xf32, #tpu.memory_space<vmem>>)
      %dma_wait3A_510 = arith.constant 1408 : i32
      %dma_wait3A_511 = arith.constant 0 : i32
      %dma_wait3A_512 = tpu.memref_slice %arg11[%dma_wait3A_510, %dma_wait3A_511] : memref<3200x16xf32, #tpu.memory_space<vmem>> -> memref<128x16xf32, #tpu.memory_space<vmem>>
      %dma_wait3A_513 = arith.constant 1408 : i32
      %dma_wait3A_514 = tpu.memref_slice %arg9[%dma_wait3A_513] : memref<3200xi32, #tpu.memory_space<vmem>> -> memref<128xi32, #tpu.memory_space<vmem>>
      %dma_wait3A_515 = arith.constant 0 : i32
      %dma_wait3A_516 = arith.constant 0 : i32
      %dma_wait3A_517 = tpu.memref_slice %arg5[%dma_wait3A_515, %dma_wait3A_516] : memref<100000x16xf32, #tpu.memory_space<hbm>> -> memref<100000x16xf32, #tpu.memory_space<hbm>>
      tpu.wait_indirect_dma semaphore(%arg13 : memref<!tpu.dma_semaphore, #tpu.memory_space<semaphore_mem>>) src(%dma_wait3A_517 : memref<100000x16xf32, #tpu.memory_space<hbm>>) dst(%dma_wait3A_512 : memref<128x16xf32, #tpu.memory_space<vmem>>)
      %dma_wait3A_518 = arith.constant 1536 : i32
      %dma_wait3A_519 = arith.constant 0 : i32
      %dma_wait3A_520 = tpu.memref_slice %arg11[%dma_wait3A_518, %dma_wait3A_519] : memref<3200x16xf32, #tpu.memory_space<vmem>> -> memref<128x16xf32, #tpu.memory_space<vmem>>
      %dma_wait3A_521 = arith.constant 1536 : i32
      %dma_wait3A_522 = tpu.memref_slice %arg9[%dma_wait3A_521] : memref<3200xi32, #tpu.memory_space<vmem>> -> memref<128xi32, #tpu.memory_space<vmem>>
      %dma_wait3A_523 = arith.constant 0 : i32
      %dma_wait3A_524 = arith.constant 0 : i32
      %dma_wait3A_525 = tpu.memref_slice %arg5[%dma_wait3A_523, %dma_wait3A_524] : memref<100000x16xf32, #tpu.memory_space<hbm>> -> memref<100000x16xf32, #tpu.memory_space<hbm>>
      tpu.wait_indirect_dma semaphore(%arg13 : memref<!tpu.dma_semaphore, #tpu.memory_space<semaphore_mem>>) src(%dma_wait3A_525 : memref<100000x16xf32, #tpu.memory_space<hbm>>) dst(%dma_wait3A_520 : memref<128x16xf32, #tpu.memory_space<vmem>>)
      %dma_wait3A_526 = arith.constant 1664 : i32
      %dma_wait3A_527 = arith.constant 0 : i32
      %dma_wait3A_528 = tpu.memref_slice %arg11[%dma_wait3A_526, %dma_wait3A_527] : memref<3200x16xf32, #tpu.memory_space<vmem>> -> memref<128x16xf32, #tpu.memory_space<vmem>>
      %dma_wait3A_529 = arith.constant 1664 : i32
      %dma_wait3A_530 = tpu.memref_slice %arg9[%dma_wait3A_529] : memref<3200xi32, #tpu.memory_space<vmem>> -> memref<128xi32, #tpu.memory_space<vmem>>
      %dma_wait3A_531 = arith.constant 0 : i32
      %dma_wait3A_532 = arith.constant 0 : i32
      %dma_wait3A_533 = tpu.memref_slice %arg5[%dma_wait3A_531, %dma_wait3A_532] : memref<100000x16xf32, #tpu.memory_space<hbm>> -> memref<100000x16xf32, #tpu.memory_space<hbm>>
      tpu.wait_indirect_dma semaphore(%arg13 : memref<!tpu.dma_semaphore, #tpu.memory_space<semaphore_mem>>) src(%dma_wait3A_533 : memref<100000x16xf32, #tpu.memory_space<hbm>>) dst(%dma_wait3A_528 : memref<128x16xf32, #tpu.memory_space<vmem>>)
      %dma_wait3A_534 = arith.constant 1792 : i32
      %dma_wait3A_535 = arith.constant 0 : i32
      %dma_wait3A_536 = tpu.memref_slice %arg11[%dma_wait3A_534, %dma_wait3A_535] : memref<3200x16xf32, #tpu.memory_space<vmem>> -> memref<128x16xf32, #tpu.memory_space<vmem>>
      %dma_wait3A_537 = arith.constant 1792 : i32
      %dma_wait3A_538 = tpu.memref_slice %arg9[%dma_wait3A_537] : memref<3200xi32, #tpu.memory_space<vmem>> -> memref<128xi32, #tpu.memory_space<vmem>>
      %dma_wait3A_539 = arith.constant 0 : i32
      %dma_wait3A_540 = arith.constant 0 : i32
      %dma_wait3A_541 = tpu.memref_slice %arg5[%dma_wait3A_539, %dma_wait3A_540] : memref<100000x16xf32, #tpu.memory_space<hbm>> -> memref<100000x16xf32, #tpu.memory_space<hbm>>
      tpu.wait_indirect_dma semaphore(%arg13 : memref<!tpu.dma_semaphore, #tpu.memory_space<semaphore_mem>>) src(%dma_wait3A_541 : memref<100000x16xf32, #tpu.memory_space<hbm>>) dst(%dma_wait3A_536 : memref<128x16xf32, #tpu.memory_space<vmem>>)
      %dma_wait3A_542 = arith.constant 1920 : i32
      %dma_wait3A_543 = arith.constant 0 : i32
      %dma_wait3A_544 = tpu.memref_slice %arg11[%dma_wait3A_542, %dma_wait3A_543] : memref<3200x16xf32, #tpu.memory_space<vmem>> -> memref<128x16xf32, #tpu.memory_space<vmem>>
      %dma_wait3A_545 = arith.constant 1920 : i32
      %dma_wait3A_546 = tpu.memref_slice %arg9[%dma_wait3A_545] : memref<3200xi32, #tpu.memory_space<vmem>> -> memref<128xi32, #tpu.memory_space<vmem>>
      %dma_wait3A_547 = arith.constant 0 : i32
      %dma_wait3A_548 = arith.constant 0 : i32
      %dma_wait3A_549 = tpu.memref_slice %arg5[%dma_wait3A_547, %dma_wait3A_548] : memref<100000x16xf32, #tpu.memory_space<hbm>> -> memref<100000x16xf32, #tpu.memory_space<hbm>>
      tpu.wait_indirect_dma semaphore(%arg13 : memref<!tpu.dma_semaphore, #tpu.memory_space<semaphore_mem>>) src(%dma_wait3A_549 : memref<100000x16xf32, #tpu.memory_space<hbm>>) dst(%dma_wait3A_544 : memref<128x16xf32, #tpu.memory_space<vmem>>)
      %dma_wait3A_550 = arith.constant 2048 : i32
      %dma_wait3A_551 = arith.constant 0 : i32
      %dma_wait3A_552 = tpu.memref_slice %arg11[%dma_wait3A_550, %dma_wait3A_551] : memref<3200x16xf32, #tpu.memory_space<vmem>> -> memref<128x16xf32, #tpu.memory_space<vmem>>
      %dma_wait3A_553 = arith.constant 2048 : i32
      %dma_wait3A_554 = tpu.memref_slice %arg9[%dma_wait3A_553] : memref<3200xi32, #tpu.memory_space<vmem>> -> memref<128xi32, #tpu.memory_space<vmem>>
      %dma_wait3A_555 = arith.constant 0 : i32
      %dma_wait3A_556 = arith.constant 0 : i32
      %dma_wait3A_557 = tpu.memref_slice %arg5[%dma_wait3A_555, %dma_wait3A_556] : memref<100000x16xf32, #tpu.memory_space<hbm>> -> memref<100000x16xf32, #tpu.memory_space<hbm>>
      tpu.wait_indirect_dma semaphore(%arg13 : memref<!tpu.dma_semaphore, #tpu.memory_space<semaphore_mem>>) src(%dma_wait3A_557 : memref<100000x16xf32, #tpu.memory_space<hbm>>) dst(%dma_wait3A_552 : memref<128x16xf32, #tpu.memory_space<vmem>>)
      %dma_wait3A_558 = arith.constant 2176 : i32
      %dma_wait3A_559 = arith.constant 0 : i32
      %dma_wait3A_560 = tpu.memref_slice %arg11[%dma_wait3A_558, %dma_wait3A_559] : memref<3200x16xf32, #tpu.memory_space<vmem>> -> memref<128x16xf32, #tpu.memory_space<vmem>>
      %dma_wait3A_561 = arith.constant 2176 : i32
      %dma_wait3A_562 = tpu.memref_slice %arg9[%dma_wait3A_561] : memref<3200xi32, #tpu.memory_space<vmem>> -> memref<128xi32, #tpu.memory_space<vmem>>
      %dma_wait3A_563 = arith.constant 0 : i32
      %dma_wait3A_564 = arith.constant 0 : i32
      %dma_wait3A_565 = tpu.memref_slice %arg5[%dma_wait3A_563, %dma_wait3A_564] : memref<100000x16xf32, #tpu.memory_space<hbm>> -> memref<100000x16xf32, #tpu.memory_space<hbm>>
      tpu.wait_indirect_dma semaphore(%arg13 : memref<!tpu.dma_semaphore, #tpu.memory_space<semaphore_mem>>) src(%dma_wait3A_565 : memref<100000x16xf32, #tpu.memory_space<hbm>>) dst(%dma_wait3A_560 : memref<128x16xf32, #tpu.memory_space<vmem>>)
      %dma_wait3A_566 = arith.constant 2304 : i32
      %dma_wait3A_567 = arith.constant 0 : i32
      %dma_wait3A_568 = tpu.memref_slice %arg11[%dma_wait3A_566, %dma_wait3A_567] : memref<3200x16xf32, #tpu.memory_space<vmem>> -> memref<128x16xf32, #tpu.memory_space<vmem>>
      %dma_wait3A_569 = arith.constant 2304 : i32
      %dma_wait3A_570 = tpu.memref_slice %arg9[%dma_wait3A_569] : memref<3200xi32, #tpu.memory_space<vmem>> -> memref<128xi32, #tpu.memory_space<vmem>>
      %dma_wait3A_571 = arith.constant 0 : i32
      %dma_wait3A_572 = arith.constant 0 : i32
      %dma_wait3A_573 = tpu.memref_slice %arg5[%dma_wait3A_571, %dma_wait3A_572] : memref<100000x16xf32, #tpu.memory_space<hbm>> -> memref<100000x16xf32, #tpu.memory_space<hbm>>
      tpu.wait_indirect_dma semaphore(%arg13 : memref<!tpu.dma_semaphore, #tpu.memory_space<semaphore_mem>>) src(%dma_wait3A_573 : memref<100000x16xf32, #tpu.memory_space<hbm>>) dst(%dma_wait3A_568 : memref<128x16xf32, #tpu.memory_space<vmem>>)
      %dma_wait3A_574 = arith.constant 2432 : i32
      %dma_wait3A_575 = arith.constant 0 : i32
      %dma_wait3A_576 = tpu.memref_slice %arg11[%dma_wait3A_574, %dma_wait3A_575] : memref<3200x16xf32, #tpu.memory_space<vmem>> -> memref<128x16xf32, #tpu.memory_space<vmem>>
      %dma_wait3A_577 = arith.constant 2432 : i32
      %dma_wait3A_578 = tpu.memref_slice %arg9[%dma_wait3A_577] : memref<3200xi32, #tpu.memory_space<vmem>> -> memref<128xi32, #tpu.memory_space<vmem>>
      %dma_wait3A_579 = arith.constant 0 : i32
      %dma_wait3A_580 = arith.constant 0 : i32
      %dma_wait3A_581 = tpu.memref_slice %arg5[%dma_wait3A_579, %dma_wait3A_580] : memref<100000x16xf32, #tpu.memory_space<hbm>> -> memref<100000x16xf32, #tpu.memory_space<hbm>>
      tpu.wait_indirect_dma semaphore(%arg13 : memref<!tpu.dma_semaphore, #tpu.memory_space<semaphore_mem>>) src(%dma_wait3A_581 : memref<100000x16xf32, #tpu.memory_space<hbm>>) dst(%dma_wait3A_576 : memref<128x16xf32, #tpu.memory_space<vmem>>)
      %dma_wait3A_582 = arith.constant 2560 : i32
      %dma_wait3A_583 = arith.constant 0 : i32
      %dma_wait3A_584 = tpu.memref_slice %arg11[%dma_wait3A_582, %dma_wait3A_583] : memref<3200x16xf32, #tpu.memory_space<vmem>> -> memref<128x16xf32, #tpu.memory_space<vmem>>
      %dma_wait3A_585 = arith.constant 2560 : i32
      %dma_wait3A_586 = tpu.memref_slice %arg9[%dma_wait3A_585] : memref<3200xi32, #tpu.memory_space<vmem>> -> memref<128xi32, #tpu.memory_space<vmem>>
      %dma_wait3A_587 = arith.constant 0 : i32
      %dma_wait3A_588 = arith.constant 0 : i32
      %dma_wait3A_589 = tpu.memref_slice %arg5[%dma_wait3A_587, %dma_wait3A_588] : memref<100000x16xf32, #tpu.memory_space<hbm>> -> memref<100000x16xf32, #tpu.memory_space<hbm>>
      tpu.wait_indirect_dma semaphore(%arg13 : memref<!tpu.dma_semaphore, #tpu.memory_space<semaphore_mem>>) src(%dma_wait3A_589 : memref<100000x16xf32, #tpu.memory_space<hbm>>) dst(%dma_wait3A_584 : memref<128x16xf32, #tpu.memory_space<vmem>>)
      %dma_wait3A_590 = arith.constant 2688 : i32
      %dma_wait3A_591 = arith.constant 0 : i32
      %dma_wait3A_592 = tpu.memref_slice %arg11[%dma_wait3A_590, %dma_wait3A_591] : memref<3200x16xf32, #tpu.memory_space<vmem>> -> memref<128x16xf32, #tpu.memory_space<vmem>>
      %dma_wait3A_593 = arith.constant 2688 : i32
      %dma_wait3A_594 = tpu.memref_slice %arg9[%dma_wait3A_593] : memref<3200xi32, #tpu.memory_space<vmem>> -> memref<128xi32, #tpu.memory_space<vmem>>
      %dma_wait3A_595 = arith.constant 0 : i32
      %dma_wait3A_596 = arith.constant 0 : i32
      %dma_wait3A_597 = tpu.memref_slice %arg5[%dma_wait3A_595, %dma_wait3A_596] : memref<100000x16xf32, #tpu.memory_space<hbm>> -> memref<100000x16xf32, #tpu.memory_space<hbm>>
      tpu.wait_indirect_dma semaphore(%arg13 : memref<!tpu.dma_semaphore, #tpu.memory_space<semaphore_mem>>) src(%dma_wait3A_597 : memref<100000x16xf32, #tpu.memory_space<hbm>>) dst(%dma_wait3A_592 : memref<128x16xf32, #tpu.memory_space<vmem>>)
      %dma_wait3A_598 = arith.constant 2816 : i32
      %dma_wait3A_599 = arith.constant 0 : i32
      %dma_wait3A_600 = tpu.memref_slice %arg11[%dma_wait3A_598, %dma_wait3A_599] : memref<3200x16xf32, #tpu.memory_space<vmem>> -> memref<128x16xf32, #tpu.memory_space<vmem>>
      %dma_wait3A_601 = arith.constant 2816 : i32
      %dma_wait3A_602 = tpu.memref_slice %arg9[%dma_wait3A_601] : memref<3200xi32, #tpu.memory_space<vmem>> -> memref<128xi32, #tpu.memory_space<vmem>>
      %dma_wait3A_603 = arith.constant 0 : i32
      %dma_wait3A_604 = arith.constant 0 : i32
      %dma_wait3A_605 = tpu.memref_slice %arg5[%dma_wait3A_603, %dma_wait3A_604] : memref<100000x16xf32, #tpu.memory_space<hbm>> -> memref<100000x16xf32, #tpu.memory_space<hbm>>
      tpu.wait_indirect_dma semaphore(%arg13 : memref<!tpu.dma_semaphore, #tpu.memory_space<semaphore_mem>>) src(%dma_wait3A_605 : memref<100000x16xf32, #tpu.memory_space<hbm>>) dst(%dma_wait3A_600 : memref<128x16xf32, #tpu.memory_space<vmem>>)
      %dma_wait3A_606 = arith.constant 2944 : i32
      %dma_wait3A_607 = arith.constant 0 : i32
      %dma_wait3A_608 = tpu.memref_slice %arg11[%dma_wait3A_606, %dma_wait3A_607] : memref<3200x16xf32, #tpu.memory_space<vmem>> -> memref<128x16xf32, #tpu.memory_space<vmem>>
      %dma_wait3A_609 = arith.constant 2944 : i32
      %dma_wait3A_610 = tpu.memref_slice %arg9[%dma_wait3A_609] : memref<3200xi32, #tpu.memory_space<vmem>> -> memref<128xi32, #tpu.memory_space<vmem>>
      %dma_wait3A_611 = arith.constant 0 : i32
      %dma_wait3A_612 = arith.constant 0 : i32
      %dma_wait3A_613 = tpu.memref_slice %arg5[%dma_wait3A_611, %dma_wait3A_612] : memref<100000x16xf32, #tpu.memory_space<hbm>> -> memref<100000x16xf32, #tpu.memory_space<hbm>>
      tpu.wait_indirect_dma semaphore(%arg13 : memref<!tpu.dma_semaphore, #tpu.memory_space<semaphore_mem>>) src(%dma_wait3A_613 : memref<100000x16xf32, #tpu.memory_space<hbm>>) dst(%dma_wait3A_608 : memref<128x16xf32, #tpu.memory_space<vmem>>)
      %dma_wait3A_614 = arith.constant 3072 : i32
      %dma_wait3A_615 = arith.constant 0 : i32
      %dma_wait3A_616 = tpu.memref_slice %arg11[%dma_wait3A_614, %dma_wait3A_615] : memref<3200x16xf32, #tpu.memory_space<vmem>> -> memref<128x16xf32, #tpu.memory_space<vmem>>
      %dma_wait3A_617 = arith.constant 3072 : i32
      %dma_wait3A_618 = tpu.memref_slice %arg9[%dma_wait3A_617] : memref<3200xi32, #tpu.memory_space<vmem>> -> memref<128xi32, #tpu.memory_space<vmem>>
      %dma_wait3A_619 = arith.constant 0 : i32
      %dma_wait3A_620 = arith.constant 0 : i32
      %dma_wait3A_621 = tpu.memref_slice %arg5[%dma_wait3A_619, %dma_wait3A_620] : memref<100000x16xf32, #tpu.memory_space<hbm>> -> memref<100000x16xf32, #tpu.memory_space<hbm>>
      tpu.wait_indirect_dma semaphore(%arg13 : memref<!tpu.dma_semaphore, #tpu.memory_space<semaphore_mem>>) src(%dma_wait3A_621 : memref<100000x16xf32, #tpu.memory_space<hbm>>) dst(%dma_wait3A_616 : memref<128x16xf32, #tpu.memory_space<vmem>>)
      %mul3A_622 = arith.constant 26 : i32
      %mul3A_623 = arith.muli %add3A_11, %mul3A_622 : i32
      "tpu.region"() ({
        %run_scoped3A = tpu.sem_alloc : memref<!tpu.dma_semaphore, #tpu.memory_space<semaphore_mem>>
        %dma_start3A_630 = arith.constant 0 : i32
        %dma_start3A_631 = tpu.memref_slice %arg6[%mul3A_623, %dma_start3A_630] : memref<425984x16xf32, #tpu.memory_space<hbm>> -> memref<1664x16xf32, #tpu.memory_space<hbm>>
        %dma_start3A_632 = arith.constant 0 : i32
        %dma_start3A_633 = tpu.memref_slice %arg6[%mul3A_623, %dma_start3A_632] : memref<425984x16xf32, #tpu.memory_space<hbm>> -> memref<1664x16xf32, #tpu.memory_space<hbm>>
        tpu.enqueue_dma source(%arg10 : memref<1664x16xf32, #tpu.memory_space<vmem>>) target(%dma_start3A_633 : memref<1664x16xf32, #tpu.memory_space<hbm>>) target_semaphore(%run_scoped3A : memref<!tpu.dma_semaphore, #tpu.memory_space<semaphore_mem>>)
        %dma_wait3A_634 = arith.constant 0 : i32
        %dma_wait3A_635 = tpu.memref_slice %arg6[%mul3A_623, %dma_wait3A_634] : memref<425984x16xf32, #tpu.memory_space<hbm>> -> memref<1664x16xf32, #tpu.memory_space<hbm>>
        %dma_wait3A_636 = arith.constant 0 : i32
        %dma_wait3A_637 = tpu.memref_slice %arg6[%mul3A_623, %dma_wait3A_636] : memref<425984x16xf32, #tpu.memory_space<hbm>> -> memref<1664x16xf32, #tpu.memory_space<hbm>>
        tpu.wait_dma2 semaphore(%run_scoped3A : memref<!tpu.dma_semaphore, #tpu.memory_space<semaphore_mem>>) src(%arg10 : memref<1664x16xf32, #tpu.memory_space<vmem>>) dst(%dma_wait3A_637 : memref<1664x16xf32, #tpu.memory_space<hbm>>)
        tpu.yield
      }) : () -> ()
      %scan3A_624 = arith.constant 0 : i32
      %scan3A_625 = arith.constant 0 : i32
      %scan3A_626 = arith.constant 64 : i32
      %scan3A_627 = arith.addi %scan3A_625, %scan3A_626 : i32
      %scan3A_628 = arith.constant 1 : i32
      scf.for %scan3A_630 = %scan3A_625 to %scan3A_627 step %scan3A_628  : i32 {
        %mul3A_631 = arith.constant 50 : i32
        %mul3A_632 = arith.muli %scan3A_630, %mul3A_631 : i32
        %add3A_633 = arith.constant 0 : i32
        %add3A_634 = arith.addi %mul3A_632, %add3A_633 : i32
        %get3A = arith.index_cast %add3A_634 : i32 to index
        %get3A_635 = arith.constant 0 : index
        %get3A_636 = tpu.vector_load %arg11[%get3A, %get3A_635] {strides = array<i32>} : memref<3200x16xf32, #tpu.memory_space<vmem>>, vector<1x16xf32>,
        %get3A_637 = vector.shape_cast %get3A_636 : vector<1x16xf32> to vector<16xf32>
        %add3A_638 = arith.constant 1 : i32
        %add3A_639 = arith.addi %mul3A_632, %add3A_638 : i32
        %get3A_640 = arith.index_cast %add3A_639 : i32 to index
        %get3A_641 = arith.constant 0 : index
        %get3A_642 = tpu.vector_load %arg11[%get3A_640, %get3A_641] {strides = array<i32>} : memref<3200x16xf32, #tpu.memory_space<vmem>>, vector<1x16xf32>,
        %get3A_643 = vector.shape_cast %get3A_642 : vector<1x16xf32> to vector<16xf32>
        %add3A_644 = arith.constant 2 : i32
        %add3A_645 = arith.addi %mul3A_632, %add3A_644 : i32
        %get3A_646 = arith.index_cast %add3A_645 : i32 to index
        %get3A_647 = arith.constant 0 : index
        %get3A_648 = tpu.vector_load %arg11[%get3A_646, %get3A_647] {strides = array<i32>} : memref<3200x16xf32, #tpu.memory_space<vmem>>, vector<1x16xf32>,
        %get3A_649 = vector.shape_cast %get3A_648 : vector<1x16xf32> to vector<16xf32>
        %add3A_650 = arith.constant 3 : i32
        %add3A_651 = arith.addi %mul3A_632, %add3A_650 : i32
        %get3A_652 = arith.index_cast %add3A_651 : i32 to index
        %get3A_653 = arith.constant 0 : index
        %get3A_654 = tpu.vector_load %arg11[%get3A_652, %get3A_653] {strides = array<i32>} : memref<3200x16xf32, #tpu.memory_space<vmem>>, vector<1x16xf32>,
        %get3A_655 = vector.shape_cast %get3A_654 : vector<1x16xf32> to vector<16xf32>
        %add3A_656 = arith.constant 4 : i32
        %add3A_657 = arith.addi %mul3A_632, %add3A_656 : i32
        %add3A_658 = arith.constant 0 : i32
        %add3A_659 = arith.addi %add3A_657, %add3A_658 : i32
        %get3A_660 = arith.index_cast %add3A_659 : i32 to index
        %get3A_661 = arith.constant 0 : index
        %get3A_662 = tpu.vector_load %arg11[%get3A_660, %get3A_661] {strides = array<i32>} : memref<3200x16xf32, #tpu.memory_space<vmem>>, vector<1x16xf32>,
        %get3A_663 = vector.shape_cast %get3A_662 : vector<1x16xf32> to vector<16xf32>
        %add3A_664 = arith.addf %get3A_637, %get3A_663 : vector<16xf32>
        %add3A_665 = arith.constant 4 : i32
        %add3A_666 = arith.addi %mul3A_632, %add3A_665 : i32
        %add3A_667 = arith.constant 1 : i32
        %add3A_668 = arith.addi %add3A_666, %add3A_667 : i32
        %get3A_669 = arith.index_cast %add3A_668 : i32 to index
        %get3A_670 = arith.constant 0 : index
        %get3A_671 = tpu.vector_load %arg11[%get3A_669, %get3A_670] {strides = array<i32>} : memref<3200x16xf32, #tpu.memory_space<vmem>>, vector<1x16xf32>,
        %get3A_672 = vector.shape_cast %get3A_671 : vector<1x16xf32> to vector<16xf32>
        %add3A_673 = arith.addf %get3A_643, %get3A_672 : vector<16xf32>
        %add3A_674 = arith.constant 4 : i32
        %add3A_675 = arith.addi %mul3A_632, %add3A_674 : i32
        %add3A_676 = arith.constant 2 : i32
        %add3A_677 = arith.addi %add3A_675, %add3A_676 : i32
        %get3A_678 = arith.index_cast %add3A_677 : i32 to index
        %get3A_679 = arith.constant 0 : index
        %get3A_680 = tpu.vector_load %arg11[%get3A_678, %get3A_679] {strides = array<i32>} : memref<3200x16xf32, #tpu.memory_space<vmem>>, vector<1x16xf32>,
        %get3A_681 = vector.shape_cast %get3A_680 : vector<1x16xf32> to vector<16xf32>
        %add3A_682 = arith.addf %get3A_649, %get3A_681 : vector<16xf32>
        %add3A_683 = arith.constant 4 : i32
        %add3A_684 = arith.addi %mul3A_632, %add3A_683 : i32
        %add3A_685 = arith.constant 3 : i32
        %add3A_686 = arith.addi %add3A_684, %add3A_685 : i32
        %get3A_687 = arith.index_cast %add3A_686 : i32 to index
        %get3A_688 = arith.constant 0 : index
        %get3A_689 = tpu.vector_load %arg11[%get3A_687, %get3A_688] {strides = array<i32>} : memref<3200x16xf32, #tpu.memory_space<vmem>>, vector<1x16xf32>,
        %get3A_690 = vector.shape_cast %get3A_689 : vector<1x16xf32> to vector<16xf32>
        %add3A_691 = arith.addf %get3A_655, %get3A_690 : vector<16xf32>
        %add3A_692 = arith.constant 8 : i32
        %add3A_693 = arith.addi %mul3A_632, %add3A_692 : i32
        %add3A_694 = arith.constant 0 : i32
        %add3A_695 = arith.addi %add3A_693, %add3A_694 : i32
        %get3A_696 = arith.index_cast %add3A_695 : i32 to index
        %get3A_697 = arith.constant 0 : index
        %get3A_698 = tpu.vector_load %arg11[%get3A_696, %get3A_697] {strides = array<i32>} : memref<3200x16xf32, #tpu.memory_space<vmem>>, vector<1x16xf32>,
        %get3A_699 = vector.shape_cast %get3A_698 : vector<1x16xf32> to vector<16xf32>
        %add3A_700 = arith.addf %add3A_664, %get3A_699 : vector<16xf32>
        %add3A_701 = arith.constant 8 : i32
        %add3A_702 = arith.addi %mul3A_632, %add3A_701 : i32
        %add3A_703 = arith.constant 1 : i32
        %add3A_704 = arith.addi %add3A_702, %add3A_703 : i32
        %get3A_705 = arith.index_cast %add3A_704 : i32 to index
        %get3A_706 = arith.constant 0 : index
        %get3A_707 = tpu.vector_load %arg11[%get3A_705, %get3A_706] {strides = array<i32>} : memref<3200x16xf32, #tpu.memory_space<vmem>>, vector<1x16xf32>,
        %get3A_708 = vector.shape_cast %get3A_707 : vector<1x16xf32> to vector<16xf32>
        %add3A_709 = arith.addf %add3A_673, %get3A_708 : vector<16xf32>
        %add3A_710 = arith.constant 8 : i32
        %add3A_711 = arith.addi %mul3A_632, %add3A_710 : i32
        %add3A_712 = arith.constant 2 : i32
        %add3A_713 = arith.addi %add3A_711, %add3A_712 : i32
        %get3A_714 = arith.index_cast %add3A_713 : i32 to index
        %get3A_715 = arith.constant 0 : index
        %get3A_716 = tpu.vector_load %arg11[%get3A_714, %get3A_715] {strides = array<i32>} : memref<3200x16xf32, #tpu.memory_space<vmem>>, vector<1x16xf32>,
        %get3A_717 = vector.shape_cast %get3A_716 : vector<1x16xf32> to vector<16xf32>
        %add3A_718 = arith.addf %add3A_682, %get3A_717 : vector<16xf32>
        %add3A_719 = arith.constant 8 : i32
        %add3A_720 = arith.addi %mul3A_632, %add3A_719 : i32
        %add3A_721 = arith.constant 3 : i32
        %add3A_722 = arith.addi %add3A_720, %add3A_721 : i32
        %get3A_723 = arith.index_cast %add3A_722 : i32 to index
        %get3A_724 = arith.constant 0 : index
        %get3A_725 = tpu.vector_load %arg11[%get3A_723, %get3A_724] {strides = array<i32>} : memref<3200x16xf32, #tpu.memory_space<vmem>>, vector<1x16xf32>,
        %get3A_726 = vector.shape_cast %get3A_725 : vector<1x16xf32> to vector<16xf32>
        %add3A_727 = arith.addf %add3A_691, %get3A_726 : vector<16xf32>
        %add3A_728 = arith.constant 12 : i32
        %add3A_729 = arith.addi %mul3A_632, %add3A_728 : i32
        %add3A_730 = arith.constant 0 : i32
        %add3A_731 = arith.addi %add3A_729, %add3A_730 : i32
        %get3A_732 = arith.index_cast %add3A_731 : i32 to index
        %get3A_733 = arith.constant 0 : index
        %get3A_734 = tpu.vector_load %arg11[%get3A_732, %get3A_733] {strides = array<i32>} : memref<3200x16xf32, #tpu.memory_space<vmem>>, vector<1x16xf32>,
        %get3A_735 = vector.shape_cast %get3A_734 : vector<1x16xf32> to vector<16xf32>
        %add3A_736 = arith.addf %add3A_700, %get3A_735 : vector<16xf32>
        %add3A_737 = arith.constant 12 : i32
        %add3A_738 = arith.addi %mul3A_632, %add3A_737 : i32
        %add3A_739 = arith.constant 1 : i32
        %add3A_740 = arith.addi %add3A_738, %add3A_739 : i32
        %get3A_741 = arith.index_cast %add3A_740 : i32 to index
        %get3A_742 = arith.constant 0 : index
        %get3A_743 = tpu.vector_load %arg11[%get3A_741, %get3A_742] {strides = array<i32>} : memref<3200x16xf32, #tpu.memory_space<vmem>>, vector<1x16xf32>,
        %get3A_744 = vector.shape_cast %get3A_743 : vector<1x16xf32> to vector<16xf32>
        %add3A_745 = arith.addf %add3A_709, %get3A_744 : vector<16xf32>
        %add3A_746 = arith.constant 12 : i32
        %add3A_747 = arith.addi %mul3A_632, %add3A_746 : i32
        %add3A_748 = arith.constant 2 : i32
        %add3A_749 = arith.addi %add3A_747, %add3A_748 : i32
        %get3A_750 = arith.index_cast %add3A_749 : i32 to index
        %get3A_751 = arith.constant 0 : index
        %get3A_752 = tpu.vector_load %arg11[%get3A_750, %get3A_751] {strides = array<i32>} : memref<3200x16xf32, #tpu.memory_space<vmem>>, vector<1x16xf32>,
        %get3A_753 = vector.shape_cast %get3A_752 : vector<1x16xf32> to vector<16xf32>
        %add3A_754 = arith.addf %add3A_718, %get3A_753 : vector<16xf32>
        %add3A_755 = arith.constant 12 : i32
        %add3A_756 = arith.addi %mul3A_632, %add3A_755 : i32
        %add3A_757 = arith.constant 3 : i32
        %add3A_758 = arith.addi %add3A_756, %add3A_757 : i32
        %get3A_759 = arith.index_cast %add3A_758 : i32 to index
        %get3A_760 = arith.constant 0 : index
        %get3A_761 = tpu.vector_load %arg11[%get3A_759, %get3A_760] {strides = array<i32>} : memref<3200x16xf32, #tpu.memory_space<vmem>>, vector<1x16xf32>,
        %get3A_762 = vector.shape_cast %get3A_761 : vector<1x16xf32> to vector<16xf32>
        %add3A_763 = arith.addf %add3A_727, %get3A_762 : vector<16xf32>
        %add3A_764 = arith.constant 16 : i32
        %add3A_765 = arith.addi %mul3A_632, %add3A_764 : i32
        %add3A_766 = arith.constant 0 : i32
        %add3A_767 = arith.addi %add3A_765, %add3A_766 : i32
        %get3A_768 = arith.index_cast %add3A_767 : i32 to index
        %get3A_769 = arith.constant 0 : index
        %get3A_770 = tpu.vector_load %arg11[%get3A_768, %get3A_769] {strides = array<i32>} : memref<3200x16xf32, #tpu.memory_space<vmem>>, vector<1x16xf32>,
        %get3A_771 = vector.shape_cast %get3A_770 : vector<1x16xf32> to vector<16xf32>
        %add3A_772 = arith.addf %add3A_736, %get3A_771 : vector<16xf32>
        %add3A_773 = arith.constant 16 : i32
        %add3A_774 = arith.addi %mul3A_632, %add3A_773 : i32
        %add3A_775 = arith.constant 1 : i32
        %add3A_776 = arith.addi %add3A_774, %add3A_775 : i32
        %get3A_777 = arith.index_cast %add3A_776 : i32 to index
        %get3A_778 = arith.constant 0 : index
        %get3A_779 = tpu.vector_load %arg11[%get3A_777, %get3A_778] {strides = array<i32>} : memref<3200x16xf32, #tpu.memory_space<vmem>>, vector<1x16xf32>,
        %get3A_780 = vector.shape_cast %get3A_779 : vector<1x16xf32> to vector<16xf32>
        %add3A_781 = arith.addf %add3A_745, %get3A_780 : vector<16xf32>
        %add3A_782 = arith.constant 16 : i32
        %add3A_783 = arith.addi %mul3A_632, %add3A_782 : i32
        %add3A_784 = arith.constant 2 : i32
        %add3A_785 = arith.addi %add3A_783, %add3A_784 : i32
        %get3A_786 = arith.index_cast %add3A_785 : i32 to index
        %get3A_787 = arith.constant 0 : index
        %get3A_788 = tpu.vector_load %arg11[%get3A_786, %get3A_787] {strides = array<i32>} : memref<3200x16xf32, #tpu.memory_space<vmem>>, vector<1x16xf32>,
        %get3A_789 = vector.shape_cast %get3A_788 : vector<1x16xf32> to vector<16xf32>
        %add3A_790 = arith.addf %add3A_754, %get3A_789 : vector<16xf32>
        %add3A_791 = arith.constant 16 : i32
        %add3A_792 = arith.addi %mul3A_632, %add3A_791 : i32
        %add3A_793 = arith.constant 3 : i32
        %add3A_794 = arith.addi %add3A_792, %add3A_793 : i32
        %get3A_795 = arith.index_cast %add3A_794 : i32 to index
        %get3A_796 = arith.constant 0 : index
        %get3A_797 = tpu.vector_load %arg11[%get3A_795, %get3A_796] {strides = array<i32>} : memref<3200x16xf32, #tpu.memory_space<vmem>>, vector<1x16xf32>,
        %get3A_798 = vector.shape_cast %get3A_797 : vector<1x16xf32> to vector<16xf32>
        %add3A_799 = arith.addf %add3A_763, %get3A_798 : vector<16xf32>
        %add3A_800 = arith.constant 20 : i32
        %add3A_801 = arith.addi %mul3A_632, %add3A_800 : i32
        %add3A_802 = arith.constant 0 : i32
        %add3A_803 = arith.addi %add3A_801, %add3A_802 : i32
        %get3A_804 = arith.index_cast %add3A_803 : i32 to index
        %get3A_805 = arith.constant 0 : index
        %get3A_806 = tpu.vector_load %arg11[%get3A_804, %get3A_805] {strides = array<i32>} : memref<3200x16xf32, #tpu.memory_space<vmem>>, vector<1x16xf32>,
        %get3A_807 = vector.shape_cast %get3A_806 : vector<1x16xf32> to vector<16xf32>
        %add3A_808 = arith.addf %add3A_772, %get3A_807 : vector<16xf32>
        %add3A_809 = arith.constant 20 : i32
        %add3A_810 = arith.addi %mul3A_632, %add3A_809 : i32
        %add3A_811 = arith.constant 1 : i32
        %add3A_812 = arith.addi %add3A_810, %add3A_811 : i32
        %get3A_813 = arith.index_cast %add3A_812 : i32 to index
        %get3A_814 = arith.constant 0 : index
        %get3A_815 = tpu.vector_load %arg11[%get3A_813, %get3A_814] {strides = array<i32>} : memref<3200x16xf32, #tpu.memory_space<vmem>>, vector<1x16xf32>,
        %get3A_816 = vector.shape_cast %get3A_815 : vector<1x16xf32> to vector<16xf32>
        %add3A_817 = arith.addf %add3A_781, %get3A_816 : vector<16xf32>
        %add3A_818 = arith.constant 20 : i32
        %add3A_819 = arith.addi %mul3A_632, %add3A_818 : i32
        %add3A_820 = arith.constant 2 : i32
        %add3A_821 = arith.addi %add3A_819, %add3A_820 : i32
        %get3A_822 = arith.index_cast %add3A_821 : i32 to index
        %get3A_823 = arith.constant 0 : index
        %get3A_824 = tpu.vector_load %arg11[%get3A_822, %get3A_823] {strides = array<i32>} : memref<3200x16xf32, #tpu.memory_space<vmem>>, vector<1x16xf32>,
        %get3A_825 = vector.shape_cast %get3A_824 : vector<1x16xf32> to vector<16xf32>
        %add3A_826 = arith.addf %add3A_790, %get3A_825 : vector<16xf32>
        %add3A_827 = arith.constant 20 : i32
        %add3A_828 = arith.addi %mul3A_632, %add3A_827 : i32
        %add3A_829 = arith.constant 3 : i32
        %add3A_830 = arith.addi %add3A_828, %add3A_829 : i32
        %get3A_831 = arith.index_cast %add3A_830 : i32 to index
        %get3A_832 = arith.constant 0 : index
        %get3A_833 = tpu.vector_load %arg11[%get3A_831, %get3A_832] {strides = array<i32>} : memref<3200x16xf32, #tpu.memory_space<vmem>>, vector<1x16xf32>,
        %get3A_834 = vector.shape_cast %get3A_833 : vector<1x16xf32> to vector<16xf32>
        %add3A_835 = arith.addf %add3A_799, %get3A_834 : vector<16xf32>
        %add3A_836 = arith.constant 24 : i32
        %add3A_837 = arith.addi %mul3A_632, %add3A_836 : i32
        %add3A_838 = arith.constant 0 : i32
        %add3A_839 = arith.addi %add3A_837, %add3A_838 : i32
        %get3A_840 = arith.index_cast %add3A_839 : i32 to index
        %get3A_841 = arith.constant 0 : index
        %get3A_842 = tpu.vector_load %arg11[%get3A_840, %get3A_841] {strides = array<i32>} : memref<3200x16xf32, #tpu.memory_space<vmem>>, vector<1x16xf32>,
        %get3A_843 = vector.shape_cast %get3A_842 : vector<1x16xf32> to vector<16xf32>
        %add3A_844 = arith.addf %add3A_808, %get3A_843 : vector<16xf32>
        %add3A_845 = arith.constant 24 : i32
        %add3A_846 = arith.addi %mul3A_632, %add3A_845 : i32
        %add3A_847 = arith.constant 1 : i32
        %add3A_848 = arith.addi %add3A_846, %add3A_847 : i32
        %get3A_849 = arith.index_cast %add3A_848 : i32 to index
        %get3A_850 = arith.constant 0 : index
        %get3A_851 = tpu.vector_load %arg11[%get3A_849, %get3A_850] {strides = array<i32>} : memref<3200x16xf32, #tpu.memory_space<vmem>>, vector<1x16xf32>,
        %get3A_852 = vector.shape_cast %get3A_851 : vector<1x16xf32> to vector<16xf32>
        %add3A_853 = arith.addf %add3A_817, %get3A_852 : vector<16xf32>
        %add3A_854 = arith.constant 24 : i32
        %add3A_855 = arith.addi %mul3A_632, %add3A_854 : i32
        %add3A_856 = arith.constant 2 : i32
        %add3A_857 = arith.addi %add3A_855, %add3A_856 : i32
        %get3A_858 = arith.index_cast %add3A_857 : i32 to index
        %get3A_859 = arith.constant 0 : index
        %get3A_860 = tpu.vector_load %arg11[%get3A_858, %get3A_859] {strides = array<i32>} : memref<3200x16xf32, #tpu.memory_space<vmem>>, vector<1x16xf32>,
        %get3A_861 = vector.shape_cast %get3A_860 : vector<1x16xf32> to vector<16xf32>
        %add3A_862 = arith.addf %add3A_826, %get3A_861 : vector<16xf32>
        %add3A_863 = arith.constant 24 : i32
        %add3A_864 = arith.addi %mul3A_632, %add3A_863 : i32
        %add3A_865 = arith.constant 3 : i32
        %add3A_866 = arith.addi %add3A_864, %add3A_865 : i32
        %get3A_867 = arith.index_cast %add3A_866 : i32 to index
        %get3A_868 = arith.constant 0 : index
        %get3A_869 = tpu.vector_load %arg11[%get3A_867, %get3A_868] {strides = array<i32>} : memref<3200x16xf32, #tpu.memory_space<vmem>>, vector<1x16xf32>,
        %get3A_870 = vector.shape_cast %get3A_869 : vector<1x16xf32> to vector<16xf32>
        %add3A_871 = arith.addf %add3A_835, %get3A_870 : vector<16xf32>
        %add3A_872 = arith.constant 28 : i32
        %add3A_873 = arith.addi %mul3A_632, %add3A_872 : i32
        %add3A_874 = arith.constant 0 : i32
        %add3A_875 = arith.addi %add3A_873, %add3A_874 : i32
        %get3A_876 = arith.index_cast %add3A_875 : i32 to index
        %get3A_877 = arith.constant 0 : index
        %get3A_878 = tpu.vector_load %arg11[%get3A_876, %get3A_877] {strides = array<i32>} : memref<3200x16xf32, #tpu.memory_space<vmem>>, vector<1x16xf32>,
        %get3A_879 = vector.shape_cast %get3A_878 : vector<1x16xf32> to vector<16xf32>
        %add3A_880 = arith.addf %add3A_844, %get3A_879 : vector<16xf32>
        %add3A_881 = arith.constant 28 : i32
        %add3A_882 = arith.addi %mul3A_632, %add3A_881 : i32
        %add3A_883 = arith.constant 1 : i32
        %add3A_884 = arith.addi %add3A_882, %add3A_883 : i32
        %get3A_885 = arith.index_cast %add3A_884 : i32 to index
        %get3A_886 = arith.constant 0 : index
        %get3A_887 = tpu.vector_load %arg11[%get3A_885, %get3A_886] {strides = array<i32>} : memref<3200x16xf32, #tpu.memory_space<vmem>>, vector<1x16xf32>,
        %get3A_888 = vector.shape_cast %get3A_887 : vector<1x16xf32> to vector<16xf32>
        %add3A_889 = arith.addf %add3A_853, %get3A_888 : vector<16xf32>
        %add3A_890 = arith.constant 28 : i32
        %add3A_891 = arith.addi %mul3A_632, %add3A_890 : i32
        %add3A_892 = arith.constant 2 : i32
        %add3A_893 = arith.addi %add3A_891, %add3A_892 : i32
        %get3A_894 = arith.index_cast %add3A_893 : i32 to index
        %get3A_895 = arith.constant 0 : index
        %get3A_896 = tpu.vector_load %arg11[%get3A_894, %get3A_895] {strides = array<i32>} : memref<3200x16xf32, #tpu.memory_space<vmem>>, vector<1x16xf32>,
        %get3A_897 = vector.shape_cast %get3A_896 : vector<1x16xf32> to vector<16xf32>
        %add3A_898 = arith.addf %add3A_862, %get3A_897 : vector<16xf32>
        %add3A_899 = arith.constant 28 : i32
        %add3A_900 = arith.addi %mul3A_632, %add3A_899 : i32
        %add3A_901 = arith.constant 3 : i32
        %add3A_902 = arith.addi %add3A_900, %add3A_901 : i32
        %get3A_903 = arith.index_cast %add3A_902 : i32 to index
        %get3A_904 = arith.constant 0 : index
        %get3A_905 = tpu.vector_load %arg11[%get3A_903, %get3A_904] {strides = array<i32>} : memref<3200x16xf32, #tpu.memory_space<vmem>>, vector<1x16xf32>,
        %get3A_906 = vector.shape_cast %get3A_905 : vector<1x16xf32> to vector<16xf32>
        %add3A_907 = arith.addf %add3A_871, %get3A_906 : vector<16xf32>
        %add3A_908 = arith.constant 32 : i32
        %add3A_909 = arith.addi %mul3A_632, %add3A_908 : i32
        %add3A_910 = arith.constant 0 : i32
        %add3A_911 = arith.addi %add3A_909, %add3A_910 : i32
        %get3A_912 = arith.index_cast %add3A_911 : i32 to index
        %get3A_913 = arith.constant 0 : index
        %get3A_914 = tpu.vector_load %arg11[%get3A_912, %get3A_913] {strides = array<i32>} : memref<3200x16xf32, #tpu.memory_space<vmem>>, vector<1x16xf32>,
        %get3A_915 = vector.shape_cast %get3A_914 : vector<1x16xf32> to vector<16xf32>
        %add3A_916 = arith.addf %add3A_880, %get3A_915 : vector<16xf32>
        %add3A_917 = arith.constant 32 : i32
        %add3A_918 = arith.addi %mul3A_632, %add3A_917 : i32
        %add3A_919 = arith.constant 1 : i32
        %add3A_920 = arith.addi %add3A_918, %add3A_919 : i32
        %get3A_921 = arith.index_cast %add3A_920 : i32 to index
        %get3A_922 = arith.constant 0 : index
        %get3A_923 = tpu.vector_load %arg11[%get3A_921, %get3A_922] {strides = array<i32>} : memref<3200x16xf32, #tpu.memory_space<vmem>>, vector<1x16xf32>,
        %get3A_924 = vector.shape_cast %get3A_923 : vector<1x16xf32> to vector<16xf32>
        %add3A_925 = arith.addf %add3A_889, %get3A_924 : vector<16xf32>
        %add3A_926 = arith.constant 32 : i32
        %add3A_927 = arith.addi %mul3A_632, %add3A_926 : i32
        %add3A_928 = arith.constant 2 : i32
        %add3A_929 = arith.addi %add3A_927, %add3A_928 : i32
        %get3A_930 = arith.index_cast %add3A_929 : i32 to index
        %get3A_931 = arith.constant 0 : index
        %get3A_932 = tpu.vector_load %arg11[%get3A_930, %get3A_931] {strides = array<i32>} : memref<3200x16xf32, #tpu.memory_space<vmem>>, vector<1x16xf32>,
        %get3A_933 = vector.shape_cast %get3A_932 : vector<1x16xf32> to vector<16xf32>
        %add3A_934 = arith.addf %add3A_898, %get3A_933 : vector<16xf32>
        %add3A_935 = arith.constant 32 : i32
        %add3A_936 = arith.addi %mul3A_632, %add3A_935 : i32
        %add3A_937 = arith.constant 3 : i32
        %add3A_938 = arith.addi %add3A_936, %add3A_937 : i32
        %get3A_939 = arith.index_cast %add3A_938 : i32 to index
        %get3A_940 = arith.constant 0 : index
        %get3A_941 = tpu.vector_load %arg11[%get3A_939, %get3A_940] {strides = array<i32>} : memref<3200x16xf32, #tpu.memory_space<vmem>>, vector<1x16xf32>,
        %get3A_942 = vector.shape_cast %get3A_941 : vector<1x16xf32> to vector<16xf32>
        %add3A_943 = arith.addf %add3A_907, %get3A_942 : vector<16xf32>
        %add3A_944 = arith.constant 36 : i32
        %add3A_945 = arith.addi %mul3A_632, %add3A_944 : i32
        %add3A_946 = arith.constant 0 : i32
        %add3A_947 = arith.addi %add3A_945, %add3A_946 : i32
        %get3A_948 = arith.index_cast %add3A_947 : i32 to index
        %get3A_949 = arith.constant 0 : index
        %get3A_950 = tpu.vector_load %arg11[%get3A_948, %get3A_949] {strides = array<i32>} : memref<3200x16xf32, #tpu.memory_space<vmem>>, vector<1x16xf32>,
        %get3A_951 = vector.shape_cast %get3A_950 : vector<1x16xf32> to vector<16xf32>
        %add3A_952 = arith.addf %add3A_916, %get3A_951 : vector<16xf32>
        %add3A_953 = arith.constant 36 : i32
        %add3A_954 = arith.addi %mul3A_632, %add3A_953 : i32
        %add3A_955 = arith.constant 1 : i32
        %add3A_956 = arith.addi %add3A_954, %add3A_955 : i32
        %get3A_957 = arith.index_cast %add3A_956 : i32 to index
        %get3A_958 = arith.constant 0 : index
        %get3A_959 = tpu.vector_load %arg11[%get3A_957, %get3A_958] {strides = array<i32>} : memref<3200x16xf32, #tpu.memory_space<vmem>>, vector<1x16xf32>,
        %get3A_960 = vector.shape_cast %get3A_959 : vector<1x16xf32> to vector<16xf32>
        %add3A_961 = arith.addf %add3A_925, %get3A_960 : vector<16xf32>
        %add3A_962 = arith.constant 36 : i32
        %add3A_963 = arith.addi %mul3A_632, %add3A_962 : i32
        %add3A_964 = arith.constant 2 : i32
        %add3A_965 = arith.addi %add3A_963, %add3A_964 : i32
        %get3A_966 = arith.index_cast %add3A_965 : i32 to index
        %get3A_967 = arith.constant 0 : index
        %get3A_968 = tpu.vector_load %arg11[%get3A_966, %get3A_967] {strides = array<i32>} : memref<3200x16xf32, #tpu.memory_space<vmem>>, vector<1x16xf32>,
        %get3A_969 = vector.shape_cast %get3A_968 : vector<1x16xf32> to vector<16xf32>
        %add3A_970 = arith.addf %add3A_934, %get3A_969 : vector<16xf32>
        %add3A_971 = arith.constant 36 : i32
        %add3A_972 = arith.addi %mul3A_632, %add3A_971 : i32
        %add3A_973 = arith.constant 3 : i32
        %add3A_974 = arith.addi %add3A_972, %add3A_973 : i32
        %get3A_975 = arith.index_cast %add3A_974 : i32 to index
        %get3A_976 = arith.constant 0 : index
        %get3A_977 = tpu.vector_load %arg11[%get3A_975, %get3A_976] {strides = array<i32>} : memref<3200x16xf32, #tpu.memory_space<vmem>>, vector<1x16xf32>,
        %get3A_978 = vector.shape_cast %get3A_977 : vector<1x16xf32> to vector<16xf32>
        %add3A_979 = arith.addf %add3A_943, %get3A_978 : vector<16xf32>
        %add3A_980 = arith.constant 40 : i32
        %add3A_981 = arith.addi %mul3A_632, %add3A_980 : i32
        %add3A_982 = arith.constant 0 : i32
        %add3A_983 = arith.addi %add3A_981, %add3A_982 : i32
        %get3A_984 = arith.index_cast %add3A_983 : i32 to index
        %get3A_985 = arith.constant 0 : index
        %get3A_986 = tpu.vector_load %arg11[%get3A_984, %get3A_985] {strides = array<i32>} : memref<3200x16xf32, #tpu.memory_space<vmem>>, vector<1x16xf32>,
        %get3A_987 = vector.shape_cast %get3A_986 : vector<1x16xf32> to vector<16xf32>
        %add3A_988 = arith.addf %add3A_952, %get3A_987 : vector<16xf32>
        %add3A_989 = arith.constant 40 : i32
        %add3A_990 = arith.addi %mul3A_632, %add3A_989 : i32
        %add3A_991 = arith.constant 1 : i32
        %add3A_992 = arith.addi %add3A_990, %add3A_991 : i32
        %get3A_993 = arith.index_cast %add3A_992 : i32 to index
        %get3A_994 = arith.constant 0 : index
        %get3A_995 = tpu.vector_load %arg11[%get3A_993, %get3A_994] {strides = array<i32>} : memref<3200x16xf32, #tpu.memory_space<vmem>>, vector<1x16xf32>,
        %get3A_996 = vector.shape_cast %get3A_995 : vector<1x16xf32> to vector<16xf32>
        %add3A_997 = arith.addf %add3A_961, %get3A_996 : vector<16xf32>
        %add3A_998 = arith.constant 40 : i32
        %add3A_999 = arith.addi %mul3A_632, %add3A_998 : i32
        %add3A_1000 = arith.constant 2 : i32
        %add3A_1001 = arith.addi %add3A_999, %add3A_1000 : i32
        %get3A_1002 = arith.index_cast %add3A_1001 : i32 to index
        %get3A_1003 = arith.constant 0 : index
        %get3A_1004 = tpu.vector_load %arg11[%get3A_1002, %get3A_1003] {strides = array<i32>} : memref<3200x16xf32, #tpu.memory_space<vmem>>, vector<1x16xf32>,
        %get3A_1005 = vector.shape_cast %get3A_1004 : vector<1x16xf32> to vector<16xf32>
        %add3A_1006 = arith.addf %add3A_970, %get3A_1005 : vector<16xf32>
        %add3A_1007 = arith.constant 40 : i32
        %add3A_1008 = arith.addi %mul3A_632, %add3A_1007 : i32
        %add3A_1009 = arith.constant 3 : i32
        %add3A_1010 = arith.addi %add3A_1008, %add3A_1009 : i32
        %get3A_1011 = arith.index_cast %add3A_1010 : i32 to index
        %get3A_1012 = arith.constant 0 : index
        %get3A_1013 = tpu.vector_load %arg11[%get3A_1011, %get3A_1012] {strides = array<i32>} : memref<3200x16xf32, #tpu.memory_space<vmem>>, vector<1x16xf32>,
        %get3A_1014 = vector.shape_cast %get3A_1013 : vector<1x16xf32> to vector<16xf32>
        %add3A_1015 = arith.addf %add3A_979, %get3A_1014 : vector<16xf32>
        %add3A_1016 = arith.constant 44 : i32
        %add3A_1017 = arith.addi %mul3A_632, %add3A_1016 : i32
        %add3A_1018 = arith.constant 0 : i32
        %add3A_1019 = arith.addi %add3A_1017, %add3A_1018 : i32
        %get3A_1020 = arith.index_cast %add3A_1019 : i32 to index
        %get3A_1021 = arith.constant 0 : index
        %get3A_1022 = tpu.vector_load %arg11[%get3A_1020, %get3A_1021] {strides = array<i32>} : memref<3200x16xf32, #tpu.memory_space<vmem>>, vector<1x16xf32>,
        %get3A_1023 = vector.shape_cast %get3A_1022 : vector<1x16xf32> to vector<16xf32>
        %add3A_1024 = arith.addf %add3A_988, %get3A_1023 : vector<16xf32>
        %add3A_1025 = arith.constant 44 : i32
        %add3A_1026 = arith.addi %mul3A_632, %add3A_1025 : i32
        %add3A_1027 = arith.constant 1 : i32
        %add3A_1028 = arith.addi %add3A_1026, %add3A_1027 : i32
        %get3A_1029 = arith.index_cast %add3A_1028 : i32 to index
        %get3A_1030 = arith.constant 0 : index
        %get3A_1031 = tpu.vector_load %arg11[%get3A_1029, %get3A_1030] {strides = array<i32>} : memref<3200x16xf32, #tpu.memory_space<vmem>>, vector<1x16xf32>,
        %get3A_1032 = vector.shape_cast %get3A_1031 : vector<1x16xf32> to vector<16xf32>
        %add3A_1033 = arith.addf %add3A_997, %get3A_1032 : vector<16xf32>
        %add3A_1034 = arith.constant 44 : i32
        %add3A_1035 = arith.addi %mul3A_632, %add3A_1034 : i32
        %add3A_1036 = arith.constant 2 : i32
        %add3A_1037 = arith.addi %add3A_1035, %add3A_1036 : i32
        %get3A_1038 = arith.index_cast %add3A_1037 : i32 to index
        %get3A_1039 = arith.constant 0 : index
        %get3A_1040 = tpu.vector_load %arg11[%get3A_1038, %get3A_1039] {strides = array<i32>} : memref<3200x16xf32, #tpu.memory_space<vmem>>, vector<1x16xf32>,
        %get3A_1041 = vector.shape_cast %get3A_1040 : vector<1x16xf32> to vector<16xf32>
        %add3A_1042 = arith.addf %add3A_1006, %get3A_1041 : vector<16xf32>
        %add3A_1043 = arith.constant 44 : i32
        %add3A_1044 = arith.addi %mul3A_632, %add3A_1043 : i32
        %add3A_1045 = arith.constant 3 : i32
        %add3A_1046 = arith.addi %add3A_1044, %add3A_1045 : i32
        %get3A_1047 = arith.index_cast %add3A_1046 : i32 to index
        %get3A_1048 = arith.constant 0 : index
        %get3A_1049 = tpu.vector_load %arg11[%get3A_1047, %get3A_1048] {strides = array<i32>} : memref<3200x16xf32, #tpu.memory_space<vmem>>, vector<1x16xf32>,
        %get3A_1050 = vector.shape_cast %get3A_1049 : vector<1x16xf32> to vector<16xf32>
        %add3A_1051 = arith.addf %add3A_1015, %get3A_1050 : vector<16xf32>
        %add3A_1052 = arith.constant 50 : i32
        %add3A_1053 = arith.addi %mul3A_632, %add3A_1052 : i32
        %sub3A = arith.constant 2 : i32
        %sub3A_1054 = arith.subi %add3A_1053, %sub3A : i32
        %get3A_1055 = arith.index_cast %sub3A_1054 : i32 to index
        %get3A_1056 = arith.constant 0 : index
        %get3A_1057 = tpu.vector_load %arg11[%get3A_1055, %get3A_1056] {strides = array<i32>} : memref<3200x16xf32, #tpu.memory_space<vmem>>, vector<1x16xf32>,
        %get3A_1058 = vector.shape_cast %get3A_1057 : vector<1x16xf32> to vector<16xf32>
        %add3A_1059 = arith.addf %add3A_1024, %get3A_1058 : vector<16xf32>
        %add3A_1060 = arith.constant 50 : i32
        %add3A_1061 = arith.addi %mul3A_632, %add3A_1060 : i32
        %sub3A_1062 = arith.constant 1 : i32
        %sub3A_1063 = arith.subi %add3A_1061, %sub3A_1062 : i32
        %get3A_1064 = arith.index_cast %sub3A_1063 : i32 to index
        %get3A_1065 = arith.constant 0 : index
        %get3A_1066 = tpu.vector_load %arg11[%get3A_1064, %get3A_1065] {strides = array<i32>} : memref<3200x16xf32, #tpu.memory_space<vmem>>, vector<1x16xf32>,
        %get3A_1067 = vector.shape_cast %get3A_1066 : vector<1x16xf32> to vector<16xf32>
        %add3A_1068 = arith.addf %add3A_1033, %get3A_1067 : vector<16xf32>
        %add3A_1069 = arith.addf %add3A_1059, %add3A_1068 : vector<16xf32>
        %add3A_1070 = arith.addf %add3A_1042, %add3A_1051 : vector<16xf32>
        %add3A_1071 = arith.addf %add3A_1069, %add3A_1070 : vector<16xf32>
        %mul3A_1072 = arith.constant 2.000000e-02 : f32
        %mul3A_1073 = vector.broadcast %mul3A_1072 : f32 to vector<16xf32>
        %mul3A_1074 = arith.mulf %add3A_1071, %mul3A_1073 : vector<16xf32>
        %swap3A = arith.index_cast %scan3A_630 : i32 to index
        %swap3A_1075 = arith.constant 0 : index
        %swap3A_1076 = tpu.vector_load %arg12[%swap3A, %swap3A_1075] {strides = array<i32>} : memref<64x16xf32, #tpu.memory_space<vmem>>, vector<1x16xf32>,
        %swap3A_1077 = vector.shape_cast %swap3A_1076 : vector<1x16xf32> to vector<16xf32>
        %swap3A_1078 = vector.shape_cast %mul3A_1074 : vector<16xf32> to vector<1x16xf32>
        tpu.vector_store %arg12[%swap3A, %swap3A_1075], %swap3A_1078 {strides = array<i32>} : memref<64x16xf32, #tpu.memory_space<vmem>>, vector<1x16xf32>,
      }
      %scan3A_629 = arith.constant 64 : i32
      "tpu.region"() ({
        %run_scoped3A = tpu.sem_alloc : memref<!tpu.dma_semaphore, #tpu.memory_space<semaphore_mem>>
        %dma_start3A_630 = arith.constant 0 : i32
        %dma_start3A_631 = tpu.memref_slice %arg7[%add3A_11, %dma_start3A_630] : memref<16384x16xf32, #tpu.memory_space<hbm>> -> memref<64x16xf32, #tpu.memory_space<hbm>>
        %dma_start3A_632 = arith.constant 0 : i32
        %dma_start3A_633 = tpu.memref_slice %arg7[%add3A_11, %dma_start3A_632] : memref<16384x16xf32, #tpu.memory_space<hbm>> -> memref<64x16xf32, #tpu.memory_space<hbm>>
        tpu.enqueue_dma source(%arg12 : memref<64x16xf32, #tpu.memory_space<vmem>>) target(%dma_start3A_633 : memref<64x16xf32, #tpu.memory_space<hbm>>) target_semaphore(%run_scoped3A : memref<!tpu.dma_semaphore, #tpu.memory_space<semaphore_mem>>)
        %dma_wait3A_634 = arith.constant 0 : i32
        %dma_wait3A_635 = tpu.memref_slice %arg7[%add3A_11, %dma_wait3A_634] : memref<16384x16xf32, #tpu.memory_space<hbm>> -> memref<64x16xf32, #tpu.memory_space<hbm>>
        %dma_wait3A_636 = arith.constant 0 : i32
        %dma_wait3A_637 = tpu.memref_slice %arg7[%add3A_11, %dma_wait3A_636] : memref<16384x16xf32, #tpu.memory_space<hbm>> -> memref<64x16xf32, #tpu.memory_space<hbm>>
        tpu.wait_dma2 semaphore(%run_scoped3A : memref<!tpu.dma_semaphore, #tpu.memory_space<semaphore_mem>>) src(%arg12 : memref<64x16xf32, #tpu.memory_space<vmem>>) dst(%dma_wait3A_637 : memref<64x16xf32, #tpu.memory_space<hbm>>)
        tpu.yield
      }) : () -> ()
    }
    %scan3A_5 = arith.constant 8 : i32
    return
  }
}

</mosaic_0001>

<sc_bundles>
// kernel: kernel.3.cloned.1.call-start
scs
__scs_entry_jumppad:
0x0: {  	(pc) =	sbr.rel $0x88, $3  }
0x1: {  	(tag) =	ssettag $0x0;
	lr =	simm.s32 $0x1  }
0x2: {  	[smem:$0x3F9C] =	sst lr;
	_ =	strace $0xD0000000  }
0x3: {  	_ = 	snop  }
0x4: {  	_ = 	snop  }
0x5: {  	_ = 	snop  }
0x6: {  	_ = 	snop  }
0x7: {  	_ = 	snop  }
__scs_overlays_trampoline_lowered:
0x8: {  	[smem:$0x3FAB] =	sst s0  }
0x9: {  	[smem:$0x3FAC] =	sst s1  }
0xa: {  	[smem:$0x3FAD] =	sst s2  }
0xb: {  	[smem:$0x3FAE] =	sst s3  }
0xc: {  	[smem:$0x3FAF] =	sst s4  }
0xd: {  	[smem:$0x3FB0] =	sst s5  }
0xe: {  	[smem:$0x3FB1] =	sst s6  }
0xf: {  	[smem:$0x3FB2] =	sst s7  }
0x10: {  	[smem:$0x3FB3] =	sst s8  }
0x11: {  	[smem:$0x3FB4] =	sst s9;
	s0 =	simm.s32 @!p0 $0x0  }
0x12: {  	s1 =	sld [smem:$0x3F9A];
	s0 =	simm.s32 @p0 $0x1  }
0x13: {  	[smem:$0x3FB5] =	sst s0;
	s0 =	simm.s32 @!p1 $0x0  }
0x14: {  	s2 =	sld [smem:$0x3F99];
	s0 =	simm.s32 @p1 $0x1  }
0x15: {  	[smem:$0x3FB6] =	sst s0;
	s0 =	simm.s32 @!p2 $0x0  }
0x16: {  	s3 =	sld [smem:$0x3FDB];
	s0 =	simm.s32 @p2 $0x1  }
0x17: {  	s4 =	simm.s32 $0x1BF5;
	[smem:$0x3FB8] =	sst s0  }
0x18: {  	s0 =	sld [smem:$0x3F9B];
	_ =	swait.ge [sflag:s4], $0x0  }
0x19: {  	s7 =	sld [smem:$0x3F9C]  }
0x1a: {  	s8 =	sadd.s32 $0xFFFFE003, lr  }
0x1b: {  	s9 =	sadd.s32 $0xFFFFFEF7, lr;
	s5 =	simm.s32 $0xFFFFFFFF;
	p2 =	slt.u32 s8, $0xFFFFF086  }
0x1c: {  	p1 =	slt.u32 s9, $0xF7A;
	s5 =	simm.s32 @!p2 $0x0  }
0x1d: {  	s5 =	simm.s32 @p1 $0x1;
	p0 =	seq.s32 s7, s2  }
0x1e: {  	s7 =	smul.u32 @!p0 $0xF7A, s2;
	p2 =	seq.s32 @!p0 s5, $0x0  }
0x1f: {  	s9 =	smul.u32 $0xF7A, s1;
	s8 =	simm.s32 @!p0 $0x1BF5;
	p2 =	por !p2, p0  }
0x20: {  	[sflag:s8] =	ssyncset.s32 @!p0 $0xFFFFF086;
	s6 =	sadd.s32 @!p0 s3, s7;
	s7 =	simm.s32 @!p0 $0x108  }
0x21: {  	s3 =	sadd.s32 s3, s9;
	s6 =	sadd.s32 @!p0 $0x88, s6;
	s7 =	simm.s32 @p2 $0x1082  }
0x22: {  	[simem:s7], [sflag:s8] =	dma.local @!p0 [hbm:s6], $0xF7A  }
0x23: {  	s9 =	sor.u32 $0xD0000000, s2;
	s6 =	simm.s32 $0x108;
	_ =	swait.ge @!p0 [sflag:s8], $0x0  }
0x24: {  	s3 =	sadd.s32 $0x88, s3;
	s6 =	simm.s32 @!p1 $0x1082;
	[sflag:s4] =	ssyncset.s32 $0xFFFFF086  }
0x25: {  	[simem:s6], [sflag:s4] =	dma.local [hbm:s3], $0xF7A  }
0x26: {  	[smem:$0x3F9C] =	sst s1;
	(tag) =	ssettag s2;
	_ =	strace s9  }
0x27: {  	s1 =	sld [smem:$0x3FAC]  }
0x28: {  	s2 =	sld [smem:$0x3FAD]  }
0x29: {  	s4 =	sld [smem:$0x3FAF]  }
0x2a: {  	p0 =	seq.s32 s5, $0x0;
	s5 =	sld [smem:$0x3FB0]  }
0x2b: {  	s6 =	sld [smem:$0x3FB1]  }
0x2c: {  	s7 =	sld [smem:$0x3FB2]  }
0x2d: {  	s3 =	simm.s32 $0x108;
	s8 =	sld [smem:$0x3FB3]  }
0x2e: {  	s3 =	simm.s32 @!p0 $0x1082;
	s9 =	sld [smem:$0x3FB4]  }
0x2f: {  	lr =	sadd.s32 s0, s3;
	s0 =	sld [smem:$0x3FAB]  }
0x30: {  	s3 =	sld [smem:$0x3FAE]  }
0x31: {  	[smem:$0x3FB7] =	sst s10  }
0x32: {  	s10 =	sld [smem:$0x3FB5];
	_ =	sdelay $0x3  }
0x33: {  	p0 =	seq.s32 s10, $0x1;
	s10 =	sld [smem:$0x3FB7];
	_ =	sdelay $0x3  }
0x34: {  	[smem:$0x3FB7] =	sst s10  }
0x35: {  	s10 =	sld [smem:$0x3FB6];
	_ =	sdelay $0x3  }
0x36: {  	p1 =	seq.s32 s10, $0x1;
	s10 =	sld [smem:$0x3FB7];
	_ =	sdelay $0x3  }
0x37: {  	[smem:$0x3FB7] =	sst s10  }
0x38: {  	s10 =	sld [smem:$0x3FB8]  }
0x39: {  	_ = 	snop;
	(pc) =	sbr.ind lr, $3  }
0x3a: {  	_ = 	snop  }
0x3b: {  	_ = 	snop  }
0x3c: {  	p2 =	seq.s32 s10, $0x1;
	s10 =	sld [smem:$0x3FB7]  }
0x3d: {  	_ =	shalt  }
0x3e: {  	_ =	shalt  }
0x3f: {  	_ =	shalt  }
0x40: {  	_ =	shalt  }
0x41: {  	_ =	shalt  }
0x42: {  	_ =	shalt  }
0x43: {  	_ =	shalt  }
0x44: {  	_ =	shalt  }
0x45: {  	_ =	shalt  }
0x46: {  	_ =	shalt  }
0x47: {  	_ =	shalt  }
0x48: {  	_ =	shalt  }
0x49: {  	_ =	shalt  }
0x4a: {  	_ =	shalt  }
0x4b: {  	_ =	shalt  }
0x4c: {  	_ =	shalt  }
0x4d: {  	_ =	shalt  }
0x4e: {  	_ =	shalt  }
0x4f: {  	_ =	shalt  }
0x50: {  	_ =	shalt  }
0x51: {  	_ =	shalt  }
0x52: {  	_ =	shalt  }
0x53: {  	_ =	shalt  }
0x54: {  	_ =	shalt  }
0x55: {  	_ =	shalt  }
0x56: {  	_ =	shalt  }
0x57: {  	_ =	shalt  }
0x58: {  	_ =	shalt  }
0x59: {  	_ =	shalt  }
0x5a: {  	_ =	shalt  }
0x5b: {  	_ =	shalt  }
0x5c: {  	_ =	shalt  }
0x5d: {  	_ =	shalt  }
0x5e: {  	_ =	shalt  }
0x5f: {  	_ =	shalt  }
0x60: {  	_ =	shalt  }
0x61: {  	_ =	shalt  }
0x62: {  	_ =	shalt  }
0x63: {  	_ =	shalt  }
0x64: {  	_ =	shalt  }
0x65: {  	_ =	shalt  }
0x66: {  	_ =	shalt  }
0x67: {  	_ =	shalt  }
0x68: {  	_ =	shalt  }
0x69: {  	_ =	shalt  }
0x6a: {  	_ =	shalt  }
0x6b: {  	_ =	shalt  }
0x6c: {  	_ =	shalt  }
0x6d: {  	_ =	shalt  }
0x6e: {  	_ =	shalt  }
0x6f: {  	_ =	shalt  }
0x70: {  	_ =	shalt  }
0x71: {  	_ =	shalt  }
0x72: {  	_ =	shalt  }
0x73: {  	_ =	shalt  }
0x74: {  	_ =	shalt  }
0x75: {  	_ =	shalt  }
0x76: {  	_ =	shalt  }
0x77: {  	_ =	shalt  }
0x78: {  	_ =	shalt  }
0x79: {  	_ =	shalt  }
0x7a: {  	_ =	shalt  }
0x7b: {  	_ =	shalt  }
0x7c: {  	_ =	shalt  }
0x7d: {  	_ =	shalt  }
0x7e: {  	_ =	shalt  }
0x7f: {  	_ =	shalt  }
0x80: {  	_ =	shalt  }
0x81: {  	_ =	shalt  }
0x82: {  	_ =	shalt  }
0x83: {  	_ =	shalt  }
0x84: {  	_ =	shalt  }
0x85: {  	_ =	shalt  }
0x86: {  	_ =	shalt  }
0x87: {  	_ =	shalt  }
.Lfunc_end0:
.L_simem_size_0:
called_computation_lowered:
.L_overlay_start_0:
0x88: {  	s2 =	sld [smem:$0x3FD9]  }
0x89: {  	s3 =	sld [smem:$0x3FFE];
	_ =	sdelay $0x1  }
0x8a: {  	s1 =	srdreg.scid  }
0x8b: {  	s0 =	sand.u32 $0x1, s1  }
0x8c: {  	s17 =	sshll.u32 s0, $0xA;
	s2 =	sadd.s32 s3, s2  }
0x8d: {  	s2 =	sadd.s32 s2, s17  }
0x8e: {  	[smem:$0x3FC3] =	sst s2  }
0x8f: {  	_ = 	snop  }
0x90: {  	s2 =	sld [smem:$0x3FD0];
	(tm) =	ssettm $0x1  }
0x91: {  	s18 =	sld [smem:$0x3FFB];
	_ =	sdelay $0x3  }
0x92: {  	_ =	strace s18  }
0x93: {  	s3 =	sld [smem:$0x3FFC];
	_ =	sdelay $0x3  }
0x94: {  	_ =	strace s3  }
0x95: {  	s3 =	sld [smem:$0x3FFD];
	_ =	sdelay $0x3  }
0x96: {  	_ =	strace s3  }
0x97: {  	_ =	strace $0x8FFFFFFF  }
0x98: {  	s19 =	sld [smem:$0x3FDB];
	_ =	sdelay $0x1  }
0x99: {  	s4 =	simm.s32 $_scs_section_size  }
0x9a: {  	s5 =	simm.s32 $_size__tile_overlayer_lowered;
	s6 =	simm.s32 $_tile_overlayer_lowered  }
0x9b: {  	s22 =	simm.s32 $0x1BFF;
	s21 =	sshll.u32 s6, $0x1;
	s3 =	sadd.s32 s4, s19  }
0x9c: {  	s7 =	simm.s32 $0x0;
	s20 =	sshll.u32 s5, $0x1;
	s5 =	sadd.s32 s21, s3  }
0x9d: {  	[timem:s7], [sflag:s22] =	dma.local [hbm:s5], s20  }
0x9e: {  	_ =	swait.ge [sflag:s22], s20  }
0x9f: {  	s4 =	ssub.s32 $0x0, s20;
	[sflag:s22] =	ssyncset.done $0x0  }
0xa0: {  	[sflag:s22] =	ssyncadd.s32 s4;
	_ =	sdelay $0x1  }
0xa1: {  	s23 =	simm.s32 $0x1B8B  }
0xa2: {  	_ =	swait.ge [sflag:s23], $0x1  }
0xa3: {  	[sflag:s23] =	ssyncset.done $0x0  }
0xa4: {  	s25 =	simm.s32 $0x1B8E;
	s24 =	sld [smem:$0x3FFE];
	[sflag:s23] =	ssyncadd.s32 $0xFFFFFFFF  }
0xa5: {  	s26 =	simm.s32 $execute0_lowered;
	[smem:$0x3FD2] =	sst s25  }
0xa6: {  	s5 =	sshll.u32 s26, $0x1;
	_ =	strace $0x80000046;
	[dreg:$0x1] =	wrdreg $0xFFFFFFFF  }
0xa7: {  	s28 =	simm.s32 $_size_execute0_lowered;
	s3 =	sadd.s32 s3, s5;
	[dreg:$0x0] =	wrdreg $0x0  }
0xa8: {  	s5 =	sshll.u32 s28, $0x1;
	[dreg:$0x2] =	wrdreg s3  }
0xa9: {  	[dreg:$0x3] =	wrdreg s5  }
0xaa: {  	[dreg:$0x4] =	wrdreg $0xC0  }
0xab: {  	_ =	task [dreg:s7], $0x5FFFF  }
0xac: {  	[dreg:$0x1] =	wrdreg $0xFFFFFFFF  }
0xad: {  	[dreg:$0x0] =	wrdreg $0x60  }
0xae: {  	[dreg:$0x2] =	wrdreg s24  }
0xaf: {  	[dreg:$0x3] =	wrdreg s2  }
0xb0: {  	[dreg:$0x4] =	wrdreg $0x9  }
0xb1: {  	_ =	task.clear_ibuf [dreg:s7], $0x5FFFF;
	_ =	strace $0x90000046  }
0xb2: {  	s29 =	simm.s32 $0x9;
	_ =	strace $0x80000048  }
0xb3: {  	_ =	swait.ge [sflag:s29], $0x1  }
0xb4: {  	[sflag:s29] =	ssyncadd.s32 $0xFFFFFFFF  }
0xb5: {  	_ =	strace $0x90000048  }
0xb6: {  	_ =	sfence  }
0xb7: {  	s30 =	sld [smem:$0x0];
	_ =	sdelay $0x2  }
0xb8: {  	s31 =	sshll.u32 s1, $0xD;
	s1 =	sshrl.u32 s1, $0x2  }
0xb9: {  	s3 =	sand.u32 $0x4000, s31;
	s1 =	sadd.s32 s1, s30  }
0xba: {  	s0 =	sor.u32 s3, s0;
	s1 =	sshll.u32 s1, $0x11  }
0xbb: {  	s0 =	sor.u32 s1, s0  }
0xbc: {  	s0 =	sadd.s32 $0x8F2B, s0  }
0xbd: {  	[sflag:s0] =	ssyncadd.remote.s32 $0x1  }
0xbe: {  	_ =	sfence.sel $0xFFFF  }
0xbf: {  	[dreg:$0x0] =	wrdreg $0xFFFFFFFF;
	(pc) =	sbr.abs _section_cstart, $3  }
0xc0: {  	[dreg:$0x1] =	wrdreg $0xFFFFFFFF  }
0xc1: {  	_ =	task.clear_ibuf [dreg:s7], $0x2FFFF;
	_ =	strace $0x9FFFFFFF  }
0xc2: {  	(tm) =	ssettm $0x7FFFFFFF  }
0xc3: {  	_ =	shalt  }
tec
execute0_lowered:
.L_overlay_start_1:
0x0: {  	(tag) =	ssettag $0x1  }
0x1: {  	s0 =	rddreg [dreg:$0x0]  }
0x2: {  	s1 =	simm.s32 $0x0;
	s29 =	srdreg.scid;
	s5 =	stileid.u32  }
0x3: {  	s11 =	simm.s32 $0x2;
	s12 =	simm.s32 $0x680;
	s13 =	simm.s32 $0x80  }
0x4: {  	s14 =	simm.s32 $0x1300;
	s10 =	simm.s32 $0x1000;
	s15 =	simm.s32 $0x11B00  }
0x5: {  	s16 =	simm.s32 $0x1100;
	s17 =	simm.s32 $0x12300;
	s18 =	simm.s32 $0x1180  }
0x6: {  	s19 =	simm.s32 $0x12B00;
	s20 =	simm.s32 $0x1200;
	s21 =	simm.s32 $0x13300  }
0x7: {  	s22 =	simm.s32 $0x1280;
	s23 =	simm.s32 $0x13B00;
	s24 =	simm.s32 $0x1  }
0x8: {  	s25 =	simm.s32 $0x14300;
	s26 =	simm.s32 $0x0;
	[smem:$0x7FF] =	sst s1  }
0x9: {  	s3 =	sadd.s32 $0x1400, s0;
	s4 =	sadd.s32 $0xE400, s0;
	s1 =	sand.u32 $0x1, s29  }
0xa: {  	s6 =	sadd.s32 $0x27AD800, s0;
	s7 =	sadd.s32 $0x187E00, s0;
	s2 =	ssub.s32 $0x2, s1  }
0xb: {  	s8 =	sadd.s32 $0x27400, s0;
	s31 =	sshll.u32 s5, $0xA;
	s30 =	sshrl.u32 s2, $0x1  }
0xc: {  	s5 =	simm.s32 $0x10B00;
	s1 =	sshll.u32 s1, $0x9;
	s0 =	ssub.s32 s2, s30  }
0xd: {  	_ =	strace $0x80000047;
	s9 =	sor.u32 s1, s31;
	s0 =	smax.u32 s0, $0x1  }
0xe: {  	s1 =	simm.s32 $0x11300;
	s2 =	simm.s32 $0x1080;
	[dreg:$0x3] =	wrdreg s0  }
.LBB2_1:
0xf: {  	[dreg:$0x4] =	wrdreg s26;
	s26 =	simm.s32 $0x0  }
.LBB2_2:
0x10: {  	s28 =	sshll.u32 s26, $0x6  }
0x11: {  	s28 =	sadd.s32 s9, s28  }
0x12: {  	s29 =	smul.u32 $0x1A, s28;
	_ =	sdelay $0x1  }
0x13: {  	s29 =	sshrl.u32 s29, $0x3  }
0x14: {  	s30 =	sadd.s32 s3, s29;
	s29 =	simm.s32 $0x0  }
0x15: {  	[tilespmem:s29], [sflag:$0x2] =	stream.linear.gather [hbm4b:s30+s29], $0x680, $0x38;
	[tilespmem:$0x14700] =	vst v63  }
0x16: {  	s30 =	smul.u32 $0x32, s28  }
0x17: {  	_ =	swait.ge [sflag:s11], $0x680  }
0x18: {  	[sflag:s11] =	ssyncset.done $0x0;
	s30 =	sshrl.u32 s30, $0x3  }
0x19: {  	[sflag:s11] =	ssyncadd.s32 $0xFFFFF980;
	s30 =	sadd.s32 s4, s30  }
0x1a: {  	[tilespmem:s12], [sflag:$0x2] =	stream.linear.gather [hbm4b:s30+s29], $0xC80, $0x38;
	[tilespmem:$0x14700] =	vst v63  }
0x1b: {  	_ =	swait.ge [sflag:s11], $0xC80  }
0x1c: {  	[sflag:s11] =	ssyncset.done $0x0  }
0x1d: {  	[sflag:s11] =	ssyncadd.s32 $0xFFFFF380  }
0x1e: {  	[tilespmem:s14], [sflag:$0x1] =	stream.indirect.gather [hbm4b:s6+s13], $0x10, s29, s13, $0xb8;
	[tilespmem:$0x14700] =	vst v63  }
0x1f: {  	s0 =	simm.s32 $0x1B00  }
0x20: {  	[tilespmem:s0], [sflag:$0x1] =	stream.indirect.gather [hbm4b:s6+s13], $0x10, s13, s13, $0xb8;
	[tilespmem:$0x14700] =	vst v63  }
0x21: {  	s30 =	simm.s32 $0x2300;
	s0 =	simm.s32 $0x100  }
0x22: {  	[tilespmem:s30], [sflag:$0x1] =	stream.indirect.gather [hbm4b:s6+s13], $0x10, s0, s13, $0xb8;
	[tilespmem:$0x14700] =	vst v63  }
0x23: {  	s0 =	simm.s32 $0x180;
	s30 =	simm.s32 $0x2B00  }
0x24: {  	[tilespmem:s30], [sflag:$0x1] =	stream.indirect.gather [hbm4b:s6+s13], $0x10, s0, s13, $0xb8;
	[tilespmem:$0x14700] =	vst v63  }
0x25: {  	s0 =	simm.s32 $0x200;
	s30 =	simm.s32 $0x3300  }
0x26: {  	[tilespmem:s30], [sflag:$0x1] =	stream.indirect.gather [hbm4b:s6+s13], $0x10, s0, s13, $0xb8;
	[tilespmem:$0x14700] =	vst v63  }
0x27: {  	s0 =	simm.s32 $0x280;
	s30 =	simm.s32 $0x3B00  }
0x28: {  	[tilespmem:s30], [sflag:$0x1] =	stream.indirect.gather [hbm4b:s6+s13], $0x10, s0, s13, $0xb8;
	[tilespmem:$0x14700] =	vst v63  }
0x29: {  	s0 =	simm.s32 $0x300;
	s30 =	simm.s32 $0x4300  }
0x2a: {  	[tilespmem:s30], [sflag:$0x1] =	stream.indirect.gather [hbm4b:s6+s13], $0x10, s0, s13, $0xb8;
	[tilespmem:$0x14700] =	vst v63  }
0x2b: {  	s0 =	simm.s32 $0x380;
	s30 =	simm.s32 $0x4B00  }
0x2c: {  	[tilespmem:s30], [sflag:$0x1] =	stream.indirect.gather [hbm4b:s6+s13], $0x10, s0, s13, $0xb8;
	[tilespmem:$0x14700] =	vst v63  }
0x2d: {  	s0 =	simm.s32 $0x400;
	s30 =	simm.s32 $0x5300  }
0x2e: {  	[tilespmem:s30], [sflag:$0x1] =	stream.indirect.gather [hbm4b:s6+s13], $0x10, s0, s13, $0xb8;
	[tilespmem:$0x14700] =	vst v63  }
0x2f: {  	s0 =	simm.s32 $0x480;
	s30 =	simm.s32 $0x5B00  }
0x30: {  	[tilespmem:s30], [sflag:$0x1] =	stream.indirect.gather [hbm4b:s6+s13], $0x10, s0, s13, $0xb8;
	[tilespmem:$0x14700] =	vst v63  }
0x31: {  	s0 =	simm.s32 $0x500;
	s30 =	simm.s32 $0x6300  }
0x32: {  	[tilespmem:s30], [sflag:$0x1] =	stream.indirect.gather [hbm4b:s6+s13], $0x10, s0, s13, $0xb8;
	[tilespmem:$0x14700] =	vst v63  }
0x33: {  	s0 =	simm.s32 $0x580;
	s30 =	simm.s32 $0x6B00  }
0x34: {  	[tilespmem:s30], [sflag:$0x1] =	stream.indirect.gather [hbm4b:s6+s13], $0x10, s0, s13, $0xb8;
	[tilespmem:$0x14700] =	vst v63  }
0x35: {  	s0 =	simm.s32 $0x600;
	s30 =	simm.s32 $0x7300  }
0x36: {  	[tilespmem:s30], [sflag:$0x1] =	stream.indirect.gather [hbm4b:s6+s13], $0x10, s0, s13, $0xb8;
	[tilespmem:$0x14700] =	vst v63  }
0x37: {  	s0 =	simm.s32 $0x7B00  }
0x38: {  	[tilespmem:s0], [sflag:$0x1] =	stream.indirect.gather [hbm4b:s7+s13], $0x10, s12, s13, $0xb8;
	[tilespmem:$0x14700] =	vst v63  }
0x39: {  	s30 =	simm.s32 $0x8300;
	s0 =	simm.s32 $0x700  }
0x3a: {  	[tilespmem:s30], [sflag:$0x1] =	stream.indirect.gather [hbm4b:s7+s13], $0x10, s0, s13, $0xb8;
	[tilespmem:$0x14700] =	vst v63  }
0x3b: {  	s0 =	simm.s32 $0x780;
	s30 =	simm.s32 $0x8B00  }
0x3c: {  	[tilespmem:s30], [sflag:$0x1] =	stream.indirect.gather [hbm4b:s7+s13], $0x10, s0, s13, $0xb8;
	[tilespmem:$0x14700] =	vst v63  }
0x3d: {  	s0 =	simm.s32 $0x800;
	s30 =	simm.s32 $0x9300  }
0x3e: {  	[tilespmem:s30], [sflag:$0x1] =	stream.indirect.gather [hbm4b:s7+s13], $0x10, s0, s13, $0xb8;
	[tilespmem:$0x14700] =	vst v63  }
0x3f: {  	s0 =	simm.s32 $0x880;
	s30 =	simm.s32 $0x9B00  }
0x40: {  	[tilespmem:s30], [sflag:$0x1] =	stream.indirect.gather [hbm4b:s7+s13], $0x10, s0, s13, $0xb8;
	[tilespmem:$0x14700] =	vst v63  }
0x41: {  	s0 =	simm.s32 $0x900;
	s30 =	simm.s32 $0xA300  }
0x42: {  	[tilespmem:s30], [sflag:$0x1] =	stream.indirect.gather [hbm4b:s7+s13], $0x10, s0, s13, $0xb8;
	[tilespmem:$0x14700] =	vst v63  }
0x43: {  	s0 =	simm.s32 $0x980;
	s30 =	simm.s32 $0xAB00  }
0x44: {  	[tilespmem:s30], [sflag:$0x1] =	stream.indirect.gather [hbm4b:s7+s13], $0x10, s0, s13, $0xb8;
	[tilespmem:$0x14700] =	vst v63  }
0x45: {  	s0 =	simm.s32 $0xA00;
	s30 =	simm.s32 $0xB300  }
0x46: {  	[tilespmem:s30], [sflag:$0x1] =	stream.indirect.gather [hbm4b:s7+s13], $0x10, s0, s13, $0xb8;
	[tilespmem:$0x14700] =	vst v63  }
0x47: {  	s0 =	simm.s32 $0xA80;
	s30 =	simm.s32 $0xBB00  }
0x48: {  	[tilespmem:s30], [sflag:$0x1] =	stream.indirect.gather [hbm4b:s7+s13], $0x10, s0, s13, $0xb8;
	[tilespmem:$0x14700] =	vst v63  }
0x49: {  	s0 =	simm.s32 $0xB00;
	s30 =	simm.s32 $0xC300  }
0x4a: {  	[tilespmem:s30], [sflag:$0x1] =	stream.indirect.gather [hbm4b:s7+s13], $0x10, s0, s13, $0xb8;
	[tilespmem:$0x14700] =	vst v63  }
0x4b: {  	s0 =	simm.s32 $0xB80;
	s30 =	simm.s32 $0xCB00  }
0x4c: {  	[tilespmem:s30], [sflag:$0x1] =	stream.indirect.gather [hbm4b:s7+s13], $0x10, s0, s13, $0xb8;
	[tilespmem:$0x14700] =	vst v63  }
0x4d: {  	s0 =	simm.s32 $0xC00;
	s30 =	simm.s32 $0xD300  }
0x4e: {  	[tilespmem:s30], [sflag:$0x1] =	stream.indirect.gather [hbm4b:s7+s13], $0x10, s0, s13, $0xb8;
	[tilespmem:$0x14700] =	vst v63  }
0x4f: {  	s0 =	simm.s32 $0xC80;
	s30 =	simm.s32 $0xDB00  }
0x50: {  	[tilespmem:s30], [sflag:$0x1] =	stream.indirect.gather [hbm4b:s7+s13], $0x10, s0, s13, $0xb8;
	[tilespmem:$0x14700] =	vst v63  }
0x51: {  	s0 =	simm.s32 $0xD00;
	s30 =	simm.s32 $0xE300  }
0x52: {  	[tilespmem:s30], [sflag:$0x1] =	stream.indirect.gather [hbm4b:s7+s13], $0x10, s0, s13, $0xb8;
	[tilespmem:$0x14700] =	vst v63  }
0x53: {  	s0 =	simm.s32 $0xD80;
	s30 =	simm.s32 $0xEB00  }
0x54: {  	[tilespmem:s30], [sflag:$0x1] =	stream.indirect.gather [hbm4b:s7+s13], $0x10, s0, s13, $0xb8;
	[tilespmem:$0x14700] =	vst v63  }
0x55: {  	s0 =	simm.s32 $0xE00;
	s30 =	simm.s32 $0xF300  }
0x56: {  	[tilespmem:s30], [sflag:$0x1] =	stream.indirect.gather [hbm4b:s7+s13], $0x10, s0, s13, $0xb8;
	[tilespmem:$0x14700] =	vst v63  }
0x57: {  	s0 =	simm.s32 $0xE80;
	s30 =	simm.s32 $0xFB00  }
0x58: {  	[tilespmem:s30], [sflag:$0x1] =	stream.indirect.gather [hbm4b:s7+s13], $0x10, s0, s13, $0xb8;
	[tilespmem:$0x14700] =	vst v63  }
0x59: {  	s0 =	simm.s32 $0xF00;
	s30 =	simm.s32 $0x10300  }
0x5a: {  	[tilespmem:s30], [sflag:$0x1] =	stream.indirect.gather [hbm4b:s7+s13], $0x10, s0, s13, $0xb8;
	[tilespmem:$0x14700] =	vst v63  }
0x5b: {  	s0 =	simm.s32 $0xF80  }
0x5c: {  	[tilespmem:s5], [sflag:$0x1] =	stream.indirect.gather [hbm4b:s7+s13], $0x10, s0, s13, $0xb8;
	[tilespmem:$0x14700] =	vst v63  }
0x5d: {  	_ = 	snop  }
0x5e: {  	[tilespmem:s1], [sflag:$0x1] =	stream.indirect.gather [hbm4b:s7+s13], $0x10, s10, s13, $0xb8;
	[tilespmem:$0x14700] =	vst v63  }
0x5f: {  	_ = 	snop  }
0x60: {  	[tilespmem:s15], [sflag:$0x1] =	stream.indirect.gather [hbm4b:s7+s13], $0x10, s2, s13, $0xb8;
	[tilespmem:$0x14700] =	vst v63  }
0x61: {  	_ = 	snop  }
0x62: {  	[tilespmem:s17], [sflag:$0x1] =	stream.indirect.gather [hbm4b:s7+s13], $0x10, s16, s13, $0xb8;
	[tilespmem:$0x14700] =	vst v63  }
0x63: {  	_ = 	snop  }
0x64: {  	[tilespmem:s19], [sflag:$0x1] =	stream.indirect.gather [hbm4b:s7+s13], $0x10, s18, s13, $0xb8;
	[tilespmem:$0x14700] =	vst v63  }
0x65: {  	_ = 	snop  }
0x66: {  	[tilespmem:s21], [sflag:$0x1] =	stream.indirect.gather [hbm4b:s7+s13], $0x10, s20, s13, $0xb8;
	[tilespmem:$0x14700] =	vst v63  }
0x67: {  	_ = 	snop  }
0x68: {  	[tilespmem:s23], [sflag:$0x1] =	stream.indirect.gather [hbm4b:s7+s13], $0x10, s22, s13, $0xb8;
	[tilespmem:$0x14700] =	vst v63  }
0x69: {  	_ =	swait.ge [sflag:s24], $0x800  }
0x6a: {  	[sflag:s24] =	ssyncset.done $0x0  }
0x6b: {  	[sflag:s24] =	ssyncadd.s32 $0xFFFFF800  }
0x6c: {  	_ =	swait.ge [sflag:s24], $0x800  }
0x6d: {  	[sflag:s24] =	ssyncset.done $0x0  }
0x6e: {  	[sflag:s24] =	ssyncadd.s32 $0xFFFFF800  }
0x6f: {  	_ =	swait.ge [sflag:s24], $0x800  }
0x70: {  	[sflag:s24] =	ssyncset.done $0x0  }
0x71: {  	[sflag:s24] =	ssyncadd.s32 $0xFFFFF800  }
0x72: {  	_ =	swait.ge [sflag:s24], $0x800  }
0x73: {  	[sflag:s24] =	ssyncset.done $0x0  }
0x74: {  	[sflag:s24] =	ssyncadd.s32 $0xFFFFF800  }
0x75: {  	_ =	swait.ge [sflag:s24], $0x800  }
0x76: {  	[sflag:s24] =	ssyncset.done $0x0  }
0x77: {  	[sflag:s24] =	ssyncadd.s32 $0xFFFFF800  }
0x78: {  	_ =	swait.ge [sflag:s24], $0x800  }
0x79: {  	[sflag:s24] =	ssyncset.done $0x0  }
0x7a: {  	[sflag:s24] =	ssyncadd.s32 $0xFFFFF800  }
0x7b: {  	_ =	swait.ge [sflag:s24], $0x800  }
0x7c: {  	[sflag:s24] =	ssyncset.done $0x0  }
0x7d: {  	[sflag:s24] =	ssyncadd.s32 $0xFFFFF800  }
0x7e: {  	_ =	swait.ge [sflag:s24], $0x800  }
0x7f: {  	[sflag:s24] =	ssyncset.done $0x0  }
0x80: {  	[sflag:s24] =	ssyncadd.s32 $0xFFFFF800  }
0x81: {  	_ =	swait.ge [sflag:s24], $0x800  }
0x82: {  	[sflag:s24] =	ssyncset.done $0x0  }
0x83: {  	[sflag:s24] =	ssyncadd.s32 $0xFFFFF800  }
0x84: {  	_ =	swait.ge [sflag:s24], $0x800  }
0x85: {  	[sflag:s24] =	ssyncset.done $0x0  }
0x86: {  	[sflag:s24] =	ssyncadd.s32 $0xFFFFF800  }
0x87: {  	_ =	swait.ge [sflag:s24], $0x800  }
0x88: {  	[sflag:s24] =	ssyncset.done $0x0  }
0x89: {  	[sflag:s24] =	ssyncadd.s32 $0xFFFFF800  }
0x8a: {  	_ =	swait.ge [sflag:s24], $0x800  }
0x8b: {  	[sflag:s24] =	ssyncset.done $0x0  }
0x8c: {  	[sflag:s24] =	ssyncadd.s32 $0xFFFFF800  }
0x8d: {  	_ =	swait.ge [sflag:s24], $0x800  }
0x8e: {  	[sflag:s24] =	ssyncset.done $0x0  }
0x8f: {  	[sflag:s24] =	ssyncadd.s32 $0xFFFFF800  }
0x90: {  	_ =	swait.ge [sflag:s24], $0x800  }
0x91: {  	[sflag:s24] =	ssyncset.done $0x0  }
0x92: {  	[sflag:s24] =	ssyncadd.s32 $0xFFFFF800  }
0x93: {  	_ =	swait.ge [sflag:s24], $0x800  }
0x94: {  	[sflag:s24] =	ssyncset.done $0x0  }
0x95: {  	[sflag:s24] =	ssyncadd.s32 $0xFFFFF800  }
0x96: {  	_ =	swait.ge [sflag:s24], $0x800  }
0x97: {  	[sflag:s24] =	ssyncset.done $0x0  }
0x98: {  	[sflag:s24] =	ssyncadd.s32 $0xFFFFF800  }
0x99: {  	_ =	swait.ge [sflag:s24], $0x800  }
0x9a: {  	[sflag:s24] =	ssyncset.done $0x0  }
0x9b: {  	[sflag:s24] =	ssyncadd.s32 $0xFFFFF800  }
0x9c: {  	_ =	swait.ge [sflag:s24], $0x800  }
0x9d: {  	[sflag:s24] =	ssyncset.done $0x0  }
0x9e: {  	[sflag:s24] =	ssyncadd.s32 $0xFFFFF800  }
0x9f: {  	_ =	swait.ge [sflag:s24], $0x800  }
0xa0: {  	[sflag:s24] =	ssyncset.done $0x0  }
0xa1: {  	[sflag:s24] =	ssyncadd.s32 $0xFFFFF800  }
0xa2: {  	_ =	swait.ge [sflag:s24], $0x800  }
0xa3: {  	[sflag:s24] =	ssyncset.done $0x0  }
0xa4: {  	[sflag:s24] =	ssyncadd.s32 $0xFFFFF800  }
0xa5: {  	_ =	swait.ge [sflag:s24], $0x800  }
0xa6: {  	[sflag:s24] =	ssyncset.done $0x0  }
0xa7: {  	[sflag:s24] =	ssyncadd.s32 $0xFFFFF800  }
0xa8: {  	_ =	swait.ge [sflag:s24], $0x800  }
0xa9: {  	[sflag:s24] =	ssyncset.done $0x0  }
0xaa: {  	[sflag:s24] =	ssyncadd.s32 $0xFFFFF800  }
0xab: {  	_ =	swait.ge [sflag:s24], $0x800  }
0xac: {  	[sflag:s24] =	ssyncset.done $0x0  }
0xad: {  	[sflag:s24] =	ssyncadd.s32 $0xFFFFF800  }
0xae: {  	_ =	swait.ge [sflag:s24], $0x800  }
0xaf: {  	[sflag:s24] =	ssyncset.done $0x0  }
0xb0: {  	[sflag:s24] =	ssyncadd.s32 $0xFFFFF800  }
0xb1: {  	_ =	swait.ge [sflag:s24], $0x800  }
0xb2: {  	[sflag:s24] =	ssyncset.done $0x0  }
0xb3: {  	[sflag:s24] =	ssyncadd.s32 $0xFFFFF800  }
0xb4: {  	_ =	swait.ge [sflag:s24], $0x800  }
0xb5: {  	[sflag:s24] =	ssyncset.done $0x0  }
0xb6: {  	[sflag:s24] =	ssyncadd.s32 $0xFFFFF800  }
0xb7: {  	_ =	swait.ge [sflag:s24], $0x800  }
0xb8: {  	[sflag:s24] =	ssyncset.done $0x0  }
0xb9: {  	[sflag:s24] =	ssyncadd.s32 $0xFFFFF800  }
0xba: {  	_ =	swait.ge [sflag:s24], $0x800  }
0xbb: {  	[sflag:s24] =	ssyncset.done $0x0  }
0xbc: {  	[sflag:s24] =	ssyncadd.s32 $0xFFFFF800  }
0xbd: {  	_ =	swait.ge [sflag:s24], $0x800  }
0xbe: {  	[sflag:s24] =	ssyncset.done $0x0  }
0xbf: {  	[sflag:s24] =	ssyncadd.s32 $0xFFFFF800  }
0xc0: {  	_ =	swait.ge [sflag:s24], $0x800  }
0xc1: {  	[sflag:s24] =	ssyncset.done $0x0  }
0xc2: {  	[sflag:s24] =	ssyncadd.s32 $0xFFFFF800  }
0xc3: {  	_ =	swait.ge [sflag:s24], $0x800  }
0xc4: {  	[sflag:s24] =	ssyncset.done $0x0  }
0xc5: {  	[sflag:s24] =	ssyncadd.s32 $0xFFFFF800  }
0xc6: {  	_ =	swait.ge [sflag:s24], $0x800  }
0xc7: {  	[sflag:s24] =	ssyncset.done $0x0  }
0xc8: {  	[sflag:s24] =	ssyncadd.s32 $0xFFFFF800  }
0xc9: {  	_ =	swait.ge [sflag:s24], $0x800  }
0xca: {  	[sflag:s24] =	ssyncset.done $0x0  }
0xcb: {  	[sflag:s24] =	ssyncadd.s32 $0xFFFFF800  }
0xcc: {  	_ =	swait.ge [sflag:s24], $0x800  }
0xcd: {  	[sflag:s24] =	ssyncset.done $0x0  }
0xce: {  	[sflag:s24] =	ssyncadd.s32 $0xFFFFF800  }
0xcf: {  	_ =	swait.ge [sflag:s24], $0x800  }
0xd0: {  	[sflag:s24] =	ssyncset.done $0x0  }
0xd1: {  	[sflag:s24] =	ssyncadd.s32 $0xFFFFF800  }
0xd2: {  	_ =	swait.ge [sflag:s24], $0x800  }
0xd3: {  	[sflag:s24] =	ssyncset.done $0x0  }
0xd4: {  	[sflag:s24] =	ssyncadd.s32 $0xFFFFF800  }
0xd5: {  	_ =	swait.ge [sflag:s24], $0x800  }
0xd6: {  	[sflag:s24] =	ssyncset.done $0x0  }
0xd7: {  	[sflag:s24] =	ssyncadd.s32 $0xFFFFF800  }
0xd8: {  	_ =	swait.ge [sflag:s24], $0x800  }
0xd9: {  	[sflag:s24] =	ssyncset.done $0x0  }
0xda: {  	s30 =	smul.u32 $0x34, s28;
	[sflag:s24] =	ssyncadd.s32 $0xFFFFF800  }
0xdb: {  	s0 =	rddreg [dreg:$0x1]  }
0xdc: {  	s30 =	sadd.s32 s0, s30  }
0xdd: {  	[hbm4b:s30+s29] =	stream.linear.scatter [tilespmem:s14], [sflag:$0x2], $0x6800, $0x38;
	[tilespmem:$0x14700] =	vst v63  }
0xde: {  	_ =	swait.ge [sflag:s11], $0x6800  }
0xdf: {  	[sflag:s11] =	ssyncset.done $0x0  }
0xe0: {  	s30 =	simm.s32 $0x7C90;
	[sflag:s11] =	ssyncadd.s32 $0xFFFF9800  }
0xe1: {  	v0 =	vld [tilespmem:s30+$0x170]  }
0xe2: {  	v1 =	vld [tilespmem:s30+$0x150]  }
0xe3: {  	v2 =	vld [tilespmem:s30+$0x130]  }
0xe4: {  	v3 =	vld [tilespmem:s30+$0x110]  }
0xe5: {  	v4 =	vld [tilespmem:s30+$0xF0]  }
0xe6: {  	v5 =	vld [tilespmem:s30+$0xD0]  }
0xe7: {  	v6 =	vld [tilespmem:s30+$0xB0]  }
0xe8: {  	v7 =	vld [tilespmem:s30+$0x90]  }
0xe9: {  	v8 =	vld [tilespmem:s30+$0x70]  }
0xea: {  	v9 =	vld [tilespmem:s30+$0x50]  }
0xeb: {  	v10 =	vld [tilespmem:s30+$0x30]  }
0xec: {  	v11 =	vld [tilespmem:s30+$0x10]  }
0xed: {  	v12 =	vld [tilespmem:s30+$0xFFFFFFF0]  }
0xee: {  	v13 =	vld [tilespmem:s30+$0xFFFFFFD0]  }
0xef: {  	v14 =	vld [tilespmem:s30+$0xFFFFFFB0]  }
0xf0: {  	v15 =	vld [tilespmem:s30+$0xFFFFFF90]  }
0xf1: {  	v16 =	vld [tilespmem:s30+$0xFFFFFF70]  }
0xf2: {  	v17 =	vld [tilespmem:s30+$0xFFFFFF50]  }
0xf3: {  	v18 =	vld [tilespmem:s30+$0xFFFFFF30]  }
0xf4: {  	v19 =	vld [tilespmem:s30+$0xFFFFFF10]  }
0xf5: {  	v20 =	vld [tilespmem:s30+$0xFFFFFEF0]  }
0xf6: {  	v21 =	vld [tilespmem:s30+$0xFFFFFE90]  }
0xf7: {  	v22 =	vld [tilespmem:s30+$0xFFFFFED0]  }
0xf8: {  	v23 =	vld [tilespmem:s30+$0xFFFFFEA0]  }
0xf9: {  	v24 =	vld [tilespmem:s30+$0xFFFFFEB0]  }
0xfa: {  	v25 =	vld [tilespmem:s30+$0xFFFFFE70]  }
0xfb: {  	v26 =	vld [tilespmem:s30+$0xFFFFFE80]  }
0xfc: {  	s31 =	simm.s32 $0x40;
	v27 =	vld [tilespmem:s30+$0xFFFFFEC0]  }
.LBB2_3:
0xfd: {  	p0 =	sne.s32 s31, $0xFC0;
	v28 =	vld [tilespmem:s30+$0xFFFFFEE0]  }
0xfe: {  	v29 =	vld [tilespmem:s30+$0xFFFFFF00]  }
0xff: {  	v30 =	vld [tilespmem:s30+$0xFFFFFF20]  }
0x100: {  	v31 =	vld [tilespmem:s30+$0xFFFFFF40]  }
0x101: {  	v24 =	vadd.f32 v24, v25;
	v25 =	vadd.f32 v27, v26;
	v26 =	vld [tilespmem:s30+$0xFFFFFF60]  }
0x102: {  	v21 =	vadd.f32 v22, v21;
	v22 =	vadd.f32 v28, v23;
	v23 =	vld [tilespmem:s30+$0xFFFFFF80]  }
0x103: {  	v20 =	vadd.f32 v20, v24;
	v24 =	vadd.f32 v29, v25;
	v25 =	vld [tilespmem:s30+$0xFFFFFFA0]  }
0x104: {  	v19 =	vadd.f32 v19, v21;
	v21 =	vadd.f32 v30, v22;
	v22 =	vld [tilespmem:s30+$0xFFFFFFC0]  }
0x105: {  	v18 =	vadd.f32 v18, v20;
	v20 =	vadd.f32 v31, v24;
	v24 =	vld [tilespmem:s30+$0xFFFFFFE0]  }
0x106: {  	v17 =	vadd.f32 v17, v19;
	v19 =	vadd.f32 v26, v21;
	v21 =	vld [tilespmem:s30+$0x0]  }
0x107: {  	v16 =	vadd.f32 v16, v18;
	v18 =	vadd.f32 v23, v20;
	v20 =	vld [tilespmem:s30+$0x20]  }
0x108: {  	v15 =	vadd.f32 v15, v17;
	v17 =	vadd.f32 v25, v19;
	v19 =	vld [tilespmem:s30+$0x40]  }
0x109: {  	v14 =	vadd.f32 v14, v16;
	v16 =	vadd.f32 v22, v18;
	v18 =	vld [tilespmem:s30+$0x60]  }
0x10a: {  	v13 =	vadd.f32 v13, v15;
	v15 =	vadd.f32 v24, v17;
	v17 =	vld [tilespmem:s30+$0x80]  }
0x10b: {  	v12 =	vadd.f32 v12, v14;
	v14 =	vadd.f32 v21, v16;
	v16 =	vld [tilespmem:s30+$0xA0]  }
0x10c: {  	v11 =	vadd.f32 v11, v13;
	v13 =	vadd.f32 v20, v15;
	v15 =	vld [tilespmem:s30+$0xC0]  }
0x10d: {  	v10 =	vadd.f32 v10, v12;
	v12 =	vadd.f32 v19, v14;
	v14 =	vld [tilespmem:s30+$0xE0]  }
0x10e: {  	v9 =	vadd.f32 v9, v11;
	v11 =	vadd.f32 v18, v13;
	v13 =	vld [tilespmem:s30+$0x100]  }
0x10f: {  	v8 =	vadd.f32 v8, v10;
	v10 =	vadd.f32 v17, v12;
	v12 =	vld [tilespmem:s30+$0x120]  }
0x110: {  	v7 =	vadd.f32 v7, v9;
	v9 =	vadd.f32 v16, v11;
	v11 =	vld [tilespmem:s30+$0x140]  }
0x111: {  	v6 =	vadd.f32 v6, v8;
	v8 =	vadd.f32 v15, v10;
	v10 =	vld [tilespmem:s30+$0x160]  }
0x112: {  	v5 =	vadd.f32 v5, v7;
	v7 =	vadd.f32 v14, v9;
	v9 =	vld [tilespmem:s30+$0x180]  }
0x113: {  	v4 =	vadd.f32 v4, v6;
	v6 =	vadd.f32 v13, v8  }
0x114: {  	v3 =	vadd.f32 v3, v5;
	v5 =	vadd.f32 v12, v7  }
0x115: {  	v2 =	vadd.f32 v2, v4;
	v4 =	vadd.f32 v11, v6  }
0x116: {  	v1 =	vadd.f32 v1, v3;
	v3 =	vadd.f32 v10, v5  }
0x117: {  	v0 =	vadd.f32 v0, v2;
	v2 =	vadd.f32 v9, v4;
	_ =	sdelay $0x1  }
0x118: {  	v1 =	vadd.f32 v3, v1;
	v0 =	vadd.f32 v2, v0;
	_ =	sdelay $0x1  }
0x119: {  	v0 =	vadd.f32 v0, v1;
	_ =	sdelay $0x1  }
0x11a: {  	v0 =	vmul.f32 $1.999999960e-02, v0  }
0x11b: {  	s0 =	sshra.s32 s29, $0x2;
	s29 =	smov.u32 s31  }
0x11c: {  	s30 =	sadd.s32 $0x320, s30;
	[tilespmem:s0+$0x14300] =	vst v0  }
0x11d: {  	v0 =	vld [tilespmem:s30+$0x170]  }
0x11e: {  	v1 =	vld [tilespmem:s30+$0x150]  }
0x11f: {  	v2 =	vld [tilespmem:s30+$0x130]  }
0x120: {  	v3 =	vld [tilespmem:s30+$0x110]  }
0x121: {  	v4 =	vld [tilespmem:s30+$0xF0]  }
0x122: {  	v5 =	vld [tilespmem:s30+$0xD0]  }
0x123: {  	v6 =	vld [tilespmem:s30+$0xB0]  }
0x124: {  	v7 =	vld [tilespmem:s30+$0x90]  }
0x125: {  	v8 =	vld [tilespmem:s30+$0x70]  }
0x126: {  	v9 =	vld [tilespmem:s30+$0x50]  }
0x127: {  	v10 =	vld [tilespmem:s30+$0x30]  }
0x128: {  	v11 =	vld [tilespmem:s30+$0x10]  }
0x129: {  	v12 =	vld [tilespmem:s30+$0xFFFFFFF0]  }
0x12a: {  	v13 =	vld [tilespmem:s30+$0xFFFFFFD0]  }
0x12b: {  	v14 =	vld [tilespmem:s30+$0xFFFFFFB0]  }
0x12c: {  	v15 =	vld [tilespmem:s30+$0xFFFFFF90]  }
0x12d: {  	v16 =	vld [tilespmem:s30+$0xFFFFFF70]  }
0x12e: {  	v17 =	vld [tilespmem:s30+$0xFFFFFF50]  }
0x12f: {  	v18 =	vld [tilespmem:s30+$0xFFFFFF30]  }
0x130: {  	v19 =	vld [tilespmem:s30+$0xFFFFFF10]  }
0x131: {  	v20 =	vld [tilespmem:s30+$0xFFFFFEF0]  }
0x132: {  	v21 =	vld [tilespmem:s30+$0xFFFFFE90]  }
0x133: {  	v22 =	vld [tilespmem:s30+$0xFFFFFED0]  }
.Ltmp0:
0x134: {  	v23 =	vld [tilespmem:s30+$0xFFFFFEA0];
	(pc) =	sbr.rel @p0 .LBB2_3-.Ltmp0, $4  }
0x135: {  	v24 =	vld [tilespmem:s30+$0xFFFFFEB0]  }
0x136: {  	v25 =	vld [tilespmem:s30+$0xFFFFFE70]  }
0x137: {  	v26 =	vld [tilespmem:s30+$0xFFFFFE80]  }
0x138: {  	s31 =	sadd.s32 $0x40, s31;
	v27 =	vld [tilespmem:s30+$0xFFFFFEC0]  }
0x139: {  	v28 =	vld [tilespmem:s30+$0xFFFFFEE0]  }
0x13a: {  	v29 =	vld [tilespmem:s30+$0xFFFFFF00]  }
0x13b: {  	v30 =	vld [tilespmem:s30+$0xFFFFFF20]  }
0x13c: {  	v31 =	vld [tilespmem:s30+$0xFFFFFF40];
	v24 =	vadd.f32 v24, v25  }
0x13d: {  	v60 =	vld [tilespmem:s30+$0xFFFFFF60];
	v21 =	vadd.f32 v22, v21;
	v59 =	vadd.f32 v27, v26  }
0x13e: {  	v62 =	vld [tilespmem:s30+$0xFFFFFF80];
	v20 =	vadd.f32 v20, v24;
	v61 =	vadd.f32 v28, v23  }
0x13f: {  	v19 =	vadd.f32 v19, v21;
	v28 =	vld [tilespmem:s30+$0xFFFFFFA0];
	v63 =	vadd.f32 v29, v59  }
0x140: {  	v18 =	vadd.f32 v18, v20;
	v29 =	vadd.f32 v30, v61;
	v30 =	vld [tilespmem:s30+$0xFFFFFFC0]  }
0x141: {  	v32 =	vld [tilespmem:s30+$0xFFFFFFE0];
	v31 =	vadd.f32 v31, v63  }
0x142: {  	v34 =	vld [tilespmem:s30+$0x0];
	v17 =	vadd.f32 v17, v19;
	v16 =	vadd.f32 v16, v18  }
0x143: {  	v36 =	vld [tilespmem:s30+$0x20];
	v33 =	vadd.f32 v60, v29;
	v35 =	vadd.f32 v62, v31  }
0x144: {  	v38 =	vld [tilespmem:s30+$0x40];
	v15 =	vadd.f32 v15, v17;
	v14 =	vadd.f32 v14, v16  }
0x145: {  	v40 =	vld [tilespmem:s30+$0x60];
	v37 =	vadd.f32 v28, v33;
	v39 =	vadd.f32 v30, v35  }
0x146: {  	v42 =	vld [tilespmem:s30+$0x80];
	v13 =	vadd.f32 v13, v15;
	v12 =	vadd.f32 v12, v14  }
0x147: {  	v44 =	vld [tilespmem:s30+$0xA0];
	v41 =	vadd.f32 v32, v37;
	v43 =	vadd.f32 v34, v39  }
0x148: {  	v46 =	vld [tilespmem:s30+$0xC0];
	v11 =	vadd.f32 v11, v13;
	v10 =	vadd.f32 v10, v12  }
0x149: {  	v48 =	vld [tilespmem:s30+$0xE0];
	v45 =	vadd.f32 v36, v41;
	v47 =	vadd.f32 v38, v43  }
0x14a: {  	v50 =	vld [tilespmem:s30+$0x100];
	v9 =	vadd.f32 v9, v11;
	v8 =	vadd.f32 v8, v10  }
0x14b: {  	v52 =	vld [tilespmem:s30+$0x120];
	v49 =	vadd.f32 v40, v45;
	v51 =	vadd.f32 v42, v47  }
0x14c: {  	v54 =	vld [tilespmem:s30+$0x140];
	v7 =	vadd.f32 v7, v9;
	v6 =	vadd.f32 v6, v8  }
0x14d: {  	v56 =	vld [tilespmem:s30+$0x160];
	v53 =	vadd.f32 v44, v49;
	v55 =	vadd.f32 v46, v51  }
0x14e: {  	v58 =	vld [tilespmem:s30+$0x180];
	v5 =	vadd.f32 v5, v7;
	v4 =	vadd.f32 v4, v6  }
0x14f: {  	v57 =	vadd.f32 v48, v53;
	v59 =	vadd.f32 v50, v55  }
0x150: {  	v3 =	vadd.f32 v3, v5;
	v2 =	vadd.f32 v2, v4  }
0x151: {  	v60 =	vadd.f32 v52, v57;
	v61 =	vadd.f32 v54, v59  }
0x152: {  	v1 =	vadd.f32 v1, v3;
	v0 =	vadd.f32 v0, v2  }
0x153: {  	v62 =	vadd.f32 v56, v60;
	v63 =	vadd.f32 v58, v61;
	_ =	sdelay $0x1  }
0x154: {  	v1 =	vadd.f32 v62, v1;
	v0 =	vadd.f32 v63, v0;
	_ =	sdelay $0x1  }
0x155: {  	v0 =	vadd.f32 v0, v1;
	_ =	sdelay $0x1  }
0x156: {  	s26 =	sadd.s32 $0x1, s26;
	v0 =	vmul.f32 $1.999999960e-02, v0  }
0x157: {  	s0 =	sshra.s32 s29, $0x2;
	s28 =	sshll.u32 s28, $0x1;
	p0 =	sne.s32 s26, $0x8  }
.Ltmp1:
0x158: {  	s31 =	simm.s32 $0x0;
	s30 =	sadd.s32 s8, s28;
	[tilespmem:s0+$0x14300] =	vst v0;
	(pc) =	sbr.rel @p0 .LBB2_2-.Ltmp1, $4  }
0x159: {  	[hbm4b:s30+s31] =	stream.linear.scatter [tilespmem:s25], [sflag:$0x2], $0x400, $0x38;
	[tilespmem:$0x14700] =	vst v63  }
0x15a: {  	_ =	swait.ge [sflag:s11], $0x400  }
0x15b: {  	[sflag:s11] =	ssyncset.done $0x0  }
0x15c: {  	[sflag:s11] =	ssyncadd.s32 $0xFFFFFC00  }
0x15d: {  	s26 =	rddreg [dreg:$0x4]  }
0x15e: {  	s0 =	rddreg [dreg:$0x3];
	s26 =	sadd.s32 $0x1, s26  }
0x15f: {  	p0 =	sne.s32 s26, s0  }
.Ltmp2:
0x160: {  	_ = 	snop;
	(pc) =	sbr.rel @p0 .LBB2_1-.Ltmp2, $1  }
0x161: {  	_ =	sdelay $0x3  }
0x162: {  	_ =	sfence.sel $0x180000  }
0x163: {  	[bflag:$0x0] =	sbarrier.arrive $0xFFFF  }
0x164: {  	_ =	strace $0x90000047  }
0x165: {  	s0 =	stileid.u32;
	[bflag:$0x2] =	sbarrier.arrive $0xFFFF  }
0x166: {  	p0 =	sne.s32 s0, $0x0;
	s0 =	rddreg [dreg:$0x2]  }
0x167: {  	s0 =	sadd.s32 @!p0 $0x100000, s0  }
0x168: {  	[sflag:s0] =	ssyncadd.tile.s32 @!p0 $0x1;
	_ =	shalt  }
.Lfunc_end2:
_tile_overlayer_lowered:
.L_overlay_start_2:
0x169: {  	(tag) =	ssettag $0x2  }
0x16a: {  	s0 =	rddreg [dreg:$0x0];
	s2 =	stileid.u32  }
0x16b: {  	s1 =	rddreg [dreg:$0x1];
	p0 =	sne.s32 s2, $0x0  }
0x16c: {  	s3 =	rddreg [dreg:$0x2];
	[bflag:$0x3] =	sbarrier.arrive $0xFFFF;
	s2 =	simm.s32 @!p0 $0x1C02  }
0x16d: {  	[timem:s3], [sflag:s2] =	dma.local @!p0 [hbm:s0], s1  }
0x16e: {  	s0 =	simm.s32 @!p0 $0x2  }
0x16f: {  	_ =	swait.ge @!p0 [sflag:s0], s1  }
0x170: {  	s1 =	ssub.s32 @!p0 $0x0, s1;
	[sflag:s0] =	ssyncset.done @!p0 $0x0  }
0x171: {  	[sflag:s0] =	ssyncadd.s32 @!p0 s1  }
0x172: {  	[bflag:$0x3] =	sbarrier.arrive $0xFFFF  }
0x173: {  	_ =	shalt  }

</sc_bundles>
